<compile_context>
chip_gen: v7x
topology: tpu7x:2x2x1
jax: 0.10.2.dev20260603
libtpu: 0.0.44.dev20260713+nightly
codegen_flags: <defaults>
</compile_context>

<pallas_src>
import functools

import jax
import jax.numpy as jnp
from jax import lax
from jax.experimental import pallas as pl
from jax.experimental.pallas import tpu as pltpu
from jax.experimental.pallas import tpu_sc as plsc

N_ROWS = 320000
N_FEAT = 128
N_SEG = 10000
N_CORES = 2
N_SUBCORES = 16
N_TILES = N_CORES * N_SUBCORES
ROWS_PER_TILE = N_ROWS // N_TILES
CHUNK = 128
N_CHUNKS = ROWS_PER_TILE // CHUNK
REM = ROWS_PER_TILE - N_CHUNKS * CHUNK
N_SEG_PAD = 10240
SEG_PER_TILE = N_SEG_PAD // N_SUBCORES
N_GROUPS = CHUNK // 16


def _sc_body(x_hbm, ids_hbm, out_s, out_c,
             idx_a, idx_b, rows_a, rows_b, idx_r, rows_r,
             cnt_v,
             sem_ia, sem_ib, sem_ra, sem_rb, sem_sa, sem_sb,
             acc_sh):
    c = lax.axis_index("c")
    s = lax.axis_index("s")
    w = c * N_SUBCORES + s
    seg0 = s * SEG_PER_TILE
    row_base = w * ROWS_PER_TILE
    idx_v = (idx_a, idx_b)
    rows_v = (rows_a, rows_b)
    sem_i = (sem_ia, sem_ib)
    sem_r = (sem_ra, sem_rb)
    sem_s = (sem_sa, sem_sb)

    iota = lax.iota(jnp.int32, 16)
    shift_idx = jnp.maximum(iota - 1, 0)
    lane0 = iota == 0

    zvec = jnp.zeros((16,), jnp.float32)

    def zrow(r, _):
        for k in range(8):
            rows_a[r, pl.ds(k * 16, 16)] = zvec
        return 0

    lax.fori_loop(0, CHUNK, zrow, 0)
    for k in range(SEG_PER_TILE // CHUNK):
        pltpu.sync_copy(rows_a, acc_sh.at[pl.ds(seg0 + k * CHUNK, CHUNK)])

    def zcnt(j, _):
        for k in range(8):
            cnt_v[pl.ds(j * CHUNK + k * 16, 16)] = zvec
        return 0

    lax.fori_loop(0, N_SEG_PAD // CHUNK, zcnt, 0)
    pltpu.sync_copy(ids_hbm.at[pl.ds(row_base, 16)], idx_r)
    carry0 = plsc.load_gather(idx_r, [jnp.zeros((16,), jnp.int32)])
    plsc.subcore_barrier()

    def issue(i, b):
        base = row_base + i * CHUNK
        pltpu.async_copy(ids_hbm.at[pl.ds(base, CHUNK)], idx_v[b], sem_i[b])
        pltpu.async_copy(x_hbm.at[pl.ds(base, CHUNK)], rows_v[b], sem_r[b])

    def wait_slot(b):
        pltpu.make_async_copy(ids_hbm.at[pl.ds(0, CHUNK)], idx_v[b],
                              sem_i[b]).wait()
        pltpu.make_async_copy(x_hbm.at[pl.ds(0, CHUNK)], rows_v[b],
                              sem_r[b]).wait()

    def wait_scatter(b):
        pltpu.make_async_copy(rows_v[b], acc_sh.at[idx_v[b]], sem_s[b]).wait()

    def count_group(g, p, base_val):
        m = g != p
        val = (base_val + iota).astype(jnp.float32)
        plsc.addupdate_scatter(cnt_v, [g], -val, mask=m)
        plsc.addupdate_scatter(cnt_v, [p], val, mask=m)

    def count_chunk(ids_ref, local_base, n_groups, carry):
        for j in range(n_groups):
            g = ids_ref[pl.ds(j * 16, 16)]
            if j == 0:
                self_sh = plsc.load_gather(ids_ref, [shift_idx])
                p = jnp.where(lane0, carry, self_sh)
            else:
                p = ids_ref[pl.ds(j * 16 - 1, 16)]
            count_group(g, p, local_base + j * 16)
        return plsc.load_gather(
            ids_ref, [jnp.full((16,), n_groups * 16 - 1, jnp.int32)])

    issue(0, 0)

    def step(g_it, carry):
        for b in range(2):
            i = g_it * 2 + b
            wait_slot(b)
            pltpu.async_copy(rows_v[b], acc_sh.at[idx_v[b]], sem_s[b], add=True)
            carry = count_chunk(idx_v[b], i * CHUNK, N_GROUPS, carry)

            @pl.when(i >= 1)
            def _():
                wait_scatter(b ^ 1)

            @pl.when(i + 1 < N_CHUNKS)
            def _():
                issue(i + 1, b ^ 1)
        return carry

    carry = lax.fori_loop(0, N_CHUNKS // 2, step, carry0)
    wait_scatter((N_CHUNKS - 1) % 2)

    rem_base = row_base + N_CHUNKS * CHUNK
    pltpu.sync_copy(ids_hbm.at[pl.ds(rem_base, REM)], idx_r)
    pltpu.sync_copy(x_hbm.at[pl.ds(rem_base, REM)], rows_r)
    pltpu.sync_copy(rows_r, acc_sh.at[idx_r], add=True)
    lastid = count_chunk(idx_r, N_CHUNKS * CHUNK, REM // 16, carry)
    plsc.addupdate_scatter(cnt_v, [lastid],
                           jnp.full((16,), float(ROWS_PER_TILE), jnp.float32),
                           mask=lane0)

    pltpu.sync_copy(cnt_v, out_c.at[pl.ds(w * N_SEG_PAD, N_SEG_PAD)])

    plsc.subcore_barrier()

    pltpu.sync_copy(acc_sh.at[pl.ds(seg0, SEG_PER_TILE)],
                    out_s.at[pl.ds(c * N_SEG_PAD + seg0, SEG_PER_TILE)])


_sc_accumulate = functools.partial(
    pl.kernel,
    out_type=(
        jax.ShapeDtypeStruct((N_CORES * N_SEG_PAD, N_FEAT), jnp.float32),
        jax.ShapeDtypeStruct((N_TILES * N_SEG_PAD,), jnp.float32),
    ),
    mesh=plsc.VectorSubcoreMesh(core_axis_name="c", subcore_axis_name="s"),
    compiler_params=pltpu.CompilerParams(needs_layout_passes=False),
    scratch_types=(
        pltpu.VMEM((CHUNK,), jnp.int32),
        pltpu.VMEM((CHUNK,), jnp.int32),
        pltpu.VMEM((CHUNK, N_FEAT), jnp.float32),
        pltpu.VMEM((CHUNK, N_FEAT), jnp.float32),
        pltpu.VMEM((REM,), jnp.int32),
        pltpu.VMEM((REM, N_FEAT), jnp.float32),
        pltpu.VMEM((N_SEG_PAD,), jnp.float32),
        pltpu.SemaphoreType.DMA,
        pltpu.SemaphoreType.DMA,
        pltpu.SemaphoreType.DMA,
        pltpu.SemaphoreType.DMA,
        pltpu.SemaphoreType.DMA,
        pltpu.SemaphoreType.DMA,
        pltpu.VMEM_SHARED((N_SEG_PAD, N_FEAT), jnp.float32),
    ),
)(_sc_body)


def _combine_body(ps_ref, pc_ref, o_ref):
    sums = ps_ref[0] + ps_ref[1]
    cnt = jnp.sum(pc_ref[...], axis=0)
    o_ref[...] = sums / jnp.maximum(cnt, 1.0)[:, None]


_combine = pl.pallas_call(
    _combine_body,
    grid=(N_SEG_PAD // 1024,),
    in_specs=[
        pl.BlockSpec((N_CORES, 1024, N_FEAT), lambda j: (0, j, 0)),
        pl.BlockSpec((N_TILES, 1024), lambda j: (0, j)),
    ],
    out_specs=pl.BlockSpec((1024, N_FEAT), lambda j: (j, 0)),
    out_shape=jax.ShapeDtypeStruct((N_SEG_PAD, N_FEAT), jnp.float32),
)


@jax.jit
def kernel(inputs, unq_inv):
    ids = unq_inv.astype(jnp.int32)
    sums, cnts = _sc_accumulate(inputs, ids)
    padded = _combine(sums.reshape(N_CORES, N_SEG_PAD, N_FEAT),
                      cnts.reshape(N_TILES, N_SEG_PAD))
    return padded[:N_SEG]

# --- scband reference (transcript-rebuilt; emitter-appended) ---
"""Pipeline reference for scband-dynamic-voxel-encoder-19318762898066 (READ-ONLY COPY).

The authoritative reference and input builder live on the scoring server;
editing this copy changes nothing except your own understanding.
"""

import jax, jax.numpy as jnp
import numpy as np

NUM_SEGMENTS = 10000

def setup_inputs(seed: int = 0) -> dict:
    key = jax.random.key(seed)
    k1, k2 = jax.random.split(key)
    inputs = jax.random.normal(k1, (320000, 128), dtype=jnp.float32)
    unq_inv = jnp.sort(jax.random.randint(k2, (320000,), 0, NUM_SEGMENTS, dtype=jnp.int64))
    return {"inputs": inputs, "unq_inv": unq_inv}

def reference(inputs, unq_inv):
    # torch_scatter.scatter_mean(inputs, unq_inv, dim=0)
    sums = jax.ops.segment_sum(inputs, unq_inv, num_segments=NUM_SEGMENTS)
    counts = jax.ops.segment_sum(jnp.ones((inputs.shape[0],), dtype=inputs.dtype), unq_inv, num_segments=NUM_SEGMENTS)
    counts = jnp.clip(counts, 1.0, None)
    features = sums / counts[:, None]
    return features

if __name__ == "__main__":
    import jax
    _d = setup_inputs()
    print(jax.jit(kernel)(*tuple(_d.values())))

</pallas_src>

<mosaic_0001>
#map = affine_map<(d0, d1) -> (0, 0)>
#map1 = affine_map<(d0, d1) -> (0)>
module attributes {stable_mosaic.version = 14 : i64} {
  func.func @_sc_body(%arg0: i32, %arg1: i32, %arg2: memref<320000x128xf32, #tpu.memory_space<hbm>>, %arg3: memref<320000xi32, #tpu.memory_space<hbm>>, %arg4: memref<20480x128xf32, #tpu.memory_space<hbm>>, %arg5: memref<327680xf32, #tpu.memory_space<hbm>>, %arg6: memref<128xi32, #tpu.memory_space<vmem>>, %arg7: memref<128xi32, #tpu.memory_space<vmem>>, %arg8: memref<128x128xf32, #tpu.memory_space<vmem>>, %arg9: memref<128x128xf32, #tpu.memory_space<vmem>>, %arg10: memref<16xi32, #tpu.memory_space<vmem>>, %arg11: memref<16x128xf32, #tpu.memory_space<vmem>>, %arg12: memref<10240xf32, #tpu.memory_space<vmem>>, %arg13: memref<!tpu.dma_semaphore, #tpu.memory_space<semaphore_mem>>, %arg14: memref<!tpu.dma_semaphore, #tpu.memory_space<semaphore_mem>>, %arg15: memref<!tpu.dma_semaphore, #tpu.memory_space<semaphore_mem>>, %arg16: memref<!tpu.dma_semaphore, #tpu.memory_space<semaphore_mem>>, %arg17: memref<!tpu.dma_semaphore, #tpu.memory_space<semaphore_mem>>, %arg18: memref<!tpu.dma_semaphore, #tpu.memory_space<semaphore_mem>>, %arg19: memref<10240x128xf32, #tpu.memory_space<vmem_shared>>) attributes {dimension_semantics = [#tpu.dimension_semantics<core_parallel>, #tpu.dimension_semantics<subcore_parallel>], iteration_bounds = array<i64: 2, 16>, scalar_prefetch = 0 : i64, scratch_operands = 14 : i64, tpu.core_type = #tpu.core_type<sc_vector_subcore>, window_params = [{transform_indices = #map}, {transform_indices = #map1}, {transform_indices = #map}, {transform_indices = #map1}]} {
    %mul3A = arith.constant 16 : i32
    %mul3A_0 = arith.muli %arg0, %mul3A : i32
    %add3A = arith.addi %mul3A_0, %arg1 : i32
    %mul3A_1 = arith.constant 640 : i32
    %mul3A_2 = arith.muli %arg1, %mul3A_1 : i32
    %mul3A_3 = arith.constant 10000 : i32
    %mul3A_4 = arith.muli %add3A, %mul3A_3 : i32
    %iota3A = tpu.iota {dimensions = array<i32: 0>} : vector<16xi32>
    %sub3A = arith.constant 1 : i32
    %sub3A_5 = vector.broadcast %sub3A : i32 to vector<16xi32>
    %sub3A_6 = arith.subi %iota3A, %sub3A_5 : vector<16xi32>
    %max3A = arith.constant 0 : i32
    %max3A_7 = vector.broadcast %max3A : i32 to vector<16xi32>
    %max3A_8 = arith.maxsi %sub3A_6, %max3A_7 : vector<16xi32>
    %eq3A = arith.constant 0 : i32
    %eq3A_9 = vector.broadcast %eq3A : i32 to vector<16xi32>
    %eq3A_10 = arith.cmpi eq, %iota3A, %eq3A_9 : vector<16xi32>
    %broadcast_in_dim3A = arith.constant 0.000000e+00 : f32
    %broadcast_in_dim3A_11 = vector.broadcast %broadcast_in_dim3A : f32 to vector<16xf32>
    %scan3A = arith.constant 0 : i32
    %scan3A_12 = arith.constant 0 : i32
    %scan3A_13 = arith.constant 128 : i32
    %scan3A_14 = arith.addi %scan3A_12, %scan3A_13 : i32
    %scan3A_15 = arith.constant 1 : i32
    %scan3A_16 = scf.for %scan3A_72 = %scan3A_12 to %scan3A_14 step %scan3A_15 iter_args(%scan3A_73 = %scan3A) -> (i32)  : i32 {
      %swap3A = arith.index_cast %scan3A_72 : i32 to index
      %swap3A_74 = arith.constant 0 : index
      %swap3A_75 = tpu.vector_load %arg8[%swap3A, %swap3A_74] {strides = array<i32>} : memref<128x128xf32, #tpu.memory_space<vmem>>, vector<16xf32>,
      tpu.vector_store %arg8[%swap3A, %swap3A_74], %broadcast_in_dim3A_11 {strides = array<i32>} : memref<128x128xf32, #tpu.memory_space<vmem>>, vector<16xf32>,
      %swap3A_76 = arith.index_cast %scan3A_72 : i32 to index
      %swap3A_77 = arith.constant 16 : index
      %swap3A_78 = tpu.vector_load %arg8[%swap3A_76, %swap3A_77] {strides = array<i32>} : memref<128x128xf32, #tpu.memory_space<vmem>>, vector<16xf32>,
      tpu.vector_store %arg8[%swap3A_76, %swap3A_77], %broadcast_in_dim3A_11 {strides = array<i32>} : memref<128x128xf32, #tpu.memory_space<vmem>>, vector<16xf32>,
      %swap3A_79 = arith.index_cast %scan3A_72 : i32 to index
      %swap3A_80 = arith.constant 32 : index
      %swap3A_81 = tpu.vector_load %arg8[%swap3A_79, %swap3A_80] {strides = array<i32>} : memref<128x128xf32, #tpu.memory_space<vmem>>, vector<16xf32>,
      tpu.vector_store %arg8[%swap3A_79, %swap3A_80], %broadcast_in_dim3A_11 {strides = array<i32>} : memref<128x128xf32, #tpu.memory_space<vmem>>, vector<16xf32>,
      %swap3A_82 = arith.index_cast %scan3A_72 : i32 to index
      %swap3A_83 = arith.constant 48 : index
      %swap3A_84 = tpu.vector_load %arg8[%swap3A_82, %swap3A_83] {strides = array<i32>} : memref<128x128xf32, #tpu.memory_space<vmem>>, vector<16xf32>,
      tpu.vector_store %arg8[%swap3A_82, %swap3A_83], %broadcast_in_dim3A_11 {strides = array<i32>} : memref<128x128xf32, #tpu.memory_space<vmem>>, vector<16xf32>,
      %swap3A_85 = arith.index_cast %scan3A_72 : i32 to index
      %swap3A_86 = arith.constant 64 : index
      %swap3A_87 = tpu.vector_load %arg8[%swap3A_85, %swap3A_86] {strides = array<i32>} : memref<128x128xf32, #tpu.memory_space<vmem>>, vector<16xf32>,
      tpu.vector_store %arg8[%swap3A_85, %swap3A_86], %broadcast_in_dim3A_11 {strides = array<i32>} : memref<128x128xf32, #tpu.memory_space<vmem>>, vector<16xf32>,
      %swap3A_88 = arith.index_cast %scan3A_72 : i32 to index
      %swap3A_89 = arith.constant 80 : index
      %swap3A_90 = tpu.vector_load %arg8[%swap3A_88, %swap3A_89] {strides = array<i32>} : memref<128x128xf32, #tpu.memory_space<vmem>>, vector<16xf32>,
      tpu.vector_store %arg8[%swap3A_88, %swap3A_89], %broadcast_in_dim3A_11 {strides = array<i32>} : memref<128x128xf32, #tpu.memory_space<vmem>>, vector<16xf32>,
      %swap3A_91 = arith.index_cast %scan3A_72 : i32 to index
      %swap3A_92 = arith.constant 96 : index
      %swap3A_93 = tpu.vector_load %arg8[%swap3A_91, %swap3A_92] {strides = array<i32>} : memref<128x128xf32, #tpu.memory_space<vmem>>, vector<16xf32>,
      tpu.vector_store %arg8[%swap3A_91, %swap3A_92], %broadcast_in_dim3A_11 {strides = array<i32>} : memref<128x128xf32, #tpu.memory_space<vmem>>, vector<16xf32>,
      %swap3A_94 = arith.index_cast %scan3A_72 : i32 to index
      %swap3A_95 = arith.constant 112 : index
      %swap3A_96 = tpu.vector_load %arg8[%swap3A_94, %swap3A_95] {strides = array<i32>} : memref<128x128xf32, #tpu.memory_space<vmem>>, vector<16xf32>,
      tpu.vector_store %arg8[%swap3A_94, %swap3A_95], %broadcast_in_dim3A_11 {strides = array<i32>} : memref<128x128xf32, #tpu.memory_space<vmem>>, vector<16xf32>,
      %scan3A_97 = arith.constant 0 : i32
      scf.yield %scan3A_97 : i32
    }
    %scan3A_17 = arith.constant 128 : i32
    %add3A_18 = arith.constant 0 : i32
    %add3A_19 = arith.addi %mul3A_2, %add3A_18 : i32
    "tpu.region"() ({
      %run_scoped3A = tpu.sem_alloc : memref<!tpu.dma_semaphore, #tpu.memory_space<semaphore_mem>>
      %dma_start3A_72 = arith.constant 0 : i32
      %dma_start3A_73 = tpu.memref_slice %arg19[%add3A_19, %dma_start3A_72] : memref<10240x128xf32, #tpu.memory_space<vmem_shared>> -> memref<128x128xf32, #tpu.memory_space<vmem_shared>>
      %dma_start3A_74 = arith.constant 0 : i32
      %dma_start3A_75 = tpu.memref_slice %arg19[%add3A_19, %dma_start3A_74] : memref<10240x128xf32, #tpu.memory_space<vmem_shared>> -> memref<128x128xf32, #tpu.memory_space<vmem_shared>>
      tpu.enqueue_dma source(%arg8 : memref<128x128xf32, #tpu.memory_space<vmem>>) target(%dma_start3A_75 : memref<128x128xf32, #tpu.memory_space<vmem_shared>>) target_semaphore(%run_scoped3A : memref<!tpu.dma_semaphore, #tpu.memory_space<semaphore_mem>>)
      %dma_wait3A_76 = arith.constant 0 : i32
      %dma_wait3A_77 = tpu.memref_slice %arg19[%add3A_19, %dma_wait3A_76] : memref<10240x128xf32, #tpu.memory_space<vmem_shared>> -> memref<128x128xf32, #tpu.memory_space<vmem_shared>>
      %dma_wait3A_78 = arith.constant 0 : i32
      %dma_wait3A_79 = tpu.memref_slice %arg19[%add3A_19, %dma_wait3A_78] : memref<10240x128xf32, #tpu.memory_space<vmem_shared>> -> memref<128x128xf32, #tpu.memory_space<vmem_shared>>
      tpu.wait_dma2 semaphore(%run_scoped3A : memref<!tpu.dma_semaphore, #tpu.memory_space<semaphore_mem>>) src(%arg8 : memref<128x128xf32, #tpu.memory_space<vmem>>) dst(%dma_wait3A_79 : memref<128x128xf32, #tpu.memory_space<vmem_shared>>)
      tpu.yield
    }) : () -> ()
    %add3A_20 = arith.constant 128 : i32
    %add3A_21 = arith.addi %mul3A_2, %add3A_20 : i32
    "tpu.region"() ({
      %run_scoped3A = tpu.sem_alloc : memref<!tpu.dma_semaphore, #tpu.memory_space<semaphore_mem>>
      %dma_start3A_72 = arith.constant 0 : i32
      %dma_start3A_73 = tpu.memref_slice %arg19[%add3A_21, %dma_start3A_72] : memref<10240x128xf32, #tpu.memory_space<vmem_shared>> -> memref<128x128xf32, #tpu.memory_space<vmem_shared>>
      %dma_start3A_74 = arith.constant 0 : i32
      %dma_start3A_75 = tpu.memref_slice %arg19[%add3A_21, %dma_start3A_74] : memref<10240x128xf32, #tpu.memory_space<vmem_shared>> -> memref<128x128xf32, #tpu.memory_space<vmem_shared>>
      tpu.enqueue_dma source(%arg8 : memref<128x128xf32, #tpu.memory_space<vmem>>) target(%dma_start3A_75 : memref<128x128xf32, #tpu.memory_space<vmem_shared>>) target_semaphore(%run_scoped3A : memref<!tpu.dma_semaphore, #tpu.memory_space<semaphore_mem>>)
      %dma_wait3A_76 = arith.constant 0 : i32
      %dma_wait3A_77 = tpu.memref_slice %arg19[%add3A_21, %dma_wait3A_76] : memref<10240x128xf32, #tpu.memory_space<vmem_shared>> -> memref<128x128xf32, #tpu.memory_space<vmem_shared>>
      %dma_wait3A_78 = arith.constant 0 : i32
      %dma_wait3A_79 = tpu.memref_slice %arg19[%add3A_21, %dma_wait3A_78] : memref<10240x128xf32, #tpu.memory_space<vmem_shared>> -> memref<128x128xf32, #tpu.memory_space<vmem_shared>>
      tpu.wait_dma2 semaphore(%run_scoped3A : memref<!tpu.dma_semaphore, #tpu.memory_space<semaphore_mem>>) src(%arg8 : memref<128x128xf32, #tpu.memory_space<vmem>>) dst(%dma_wait3A_79 : memref<128x128xf32, #tpu.memory_space<vmem_shared>>)
      tpu.yield
    }) : () -> ()
    %add3A_22 = arith.constant 256 : i32
    %add3A_23 = arith.addi %mul3A_2, %add3A_22 : i32
    "tpu.region"() ({
      %run_scoped3A = tpu.sem_alloc : memref<!tpu.dma_semaphore, #tpu.memory_space<semaphore_mem>>
      %dma_start3A_72 = arith.constant 0 : i32
      %dma_start3A_73 = tpu.memref_slice %arg19[%add3A_23, %dma_start3A_72] : memref<10240x128xf32, #tpu.memory_space<vmem_shared>> -> memref<128x128xf32, #tpu.memory_space<vmem_shared>>
      %dma_start3A_74 = arith.constant 0 : i32
      %dma_start3A_75 = tpu.memref_slice %arg19[%add3A_23, %dma_start3A_74] : memref<10240x128xf32, #tpu.memory_space<vmem_shared>> -> memref<128x128xf32, #tpu.memory_space<vmem_shared>>
      tpu.enqueue_dma source(%arg8 : memref<128x128xf32, #tpu.memory_space<vmem>>) target(%dma_start3A_75 : memref<128x128xf32, #tpu.memory_space<vmem_shared>>) target_semaphore(%run_scoped3A : memref<!tpu.dma_semaphore, #tpu.memory_space<semaphore_mem>>)
      %dma_wait3A_76 = arith.constant 0 : i32
      %dma_wait3A_77 = tpu.memref_slice %arg19[%add3A_23, %dma_wait3A_76] : memref<10240x128xf32, #tpu.memory_space<vmem_shared>> -> memref<128x128xf32, #tpu.memory_space<vmem_shared>>
      %dma_wait3A_78 = arith.constant 0 : i32
      %dma_wait3A_79 = tpu.memref_slice %arg19[%add3A_23, %dma_wait3A_78] : memref<10240x128xf32, #tpu.memory_space<vmem_shared>> -> memref<128x128xf32, #tpu.memory_space<vmem_shared>>
      tpu.wait_dma2 semaphore(%run_scoped3A : memref<!tpu.dma_semaphore, #tpu.memory_space<semaphore_mem>>) src(%arg8 : memref<128x128xf32, #tpu.memory_space<vmem>>) dst(%dma_wait3A_79 : memref<128x128xf32, #tpu.memory_space<vmem_shared>>)
      tpu.yield
    }) : () -> ()
    %add3A_24 = arith.constant 384 : i32
    %add3A_25 = arith.addi %mul3A_2, %add3A_24 : i32
    "tpu.region"() ({
      %run_scoped3A = tpu.sem_alloc : memref<!tpu.dma_semaphore, #tpu.memory_space<semaphore_mem>>
      %dma_start3A_72 = arith.constant 0 : i32
      %dma_start3A_73 = tpu.memref_slice %arg19[%add3A_25, %dma_start3A_72] : memref<10240x128xf32, #tpu.memory_space<vmem_shared>> -> memref<128x128xf32, #tpu.memory_space<vmem_shared>>
      %dma_start3A_74 = arith.constant 0 : i32
      %dma_start3A_75 = tpu.memref_slice %arg19[%add3A_25, %dma_start3A_74] : memref<10240x128xf32, #tpu.memory_space<vmem_shared>> -> memref<128x128xf32, #tpu.memory_space<vmem_shared>>
      tpu.enqueue_dma source(%arg8 : memref<128x128xf32, #tpu.memory_space<vmem>>) target(%dma_start3A_75 : memref<128x128xf32, #tpu.memory_space<vmem_shared>>) target_semaphore(%run_scoped3A : memref<!tpu.dma_semaphore, #tpu.memory_space<semaphore_mem>>)
      %dma_wait3A_76 = arith.constant 0 : i32
      %dma_wait3A_77 = tpu.memref_slice %arg19[%add3A_25, %dma_wait3A_76] : memref<10240x128xf32, #tpu.memory_space<vmem_shared>> -> memref<128x128xf32, #tpu.memory_space<vmem_shared>>
      %dma_wait3A_78 = arith.constant 0 : i32
      %dma_wait3A_79 = tpu.memref_slice %arg19[%add3A_25, %dma_wait3A_78] : memref<10240x128xf32, #tpu.memory_space<vmem_shared>> -> memref<128x128xf32, #tpu.memory_space<vmem_shared>>
      tpu.wait_dma2 semaphore(%run_scoped3A : memref<!tpu.dma_semaphore, #tpu.memory_space<semaphore_mem>>) src(%arg8 : memref<128x128xf32, #tpu.memory_space<vmem>>) dst(%dma_wait3A_79 : memref<128x128xf32, #tpu.memory_space<vmem_shared>>)
      tpu.yield
    }) : () -> ()
    %add3A_26 = arith.constant 512 : i32
    %add3A_27 = arith.addi %mul3A_2, %add3A_26 : i32
    "tpu.region"() ({
      %run_scoped3A = tpu.sem_alloc : memref<!tpu.dma_semaphore, #tpu.memory_space<semaphore_mem>>
      %dma_start3A_72 = arith.constant 0 : i32
      %dma_start3A_73 = tpu.memref_slice %arg19[%add3A_27, %dma_start3A_72] : memref<10240x128xf32, #tpu.memory_space<vmem_shared>> -> memref<128x128xf32, #tpu.memory_space<vmem_shared>>
      %dma_start3A_74 = arith.constant 0 : i32
      %dma_start3A_75 = tpu.memref_slice %arg19[%add3A_27, %dma_start3A_74] : memref<10240x128xf32, #tpu.memory_space<vmem_shared>> -> memref<128x128xf32, #tpu.memory_space<vmem_shared>>
      tpu.enqueue_dma source(%arg8 : memref<128x128xf32, #tpu.memory_space<vmem>>) target(%dma_start3A_75 : memref<128x128xf32, #tpu.memory_space<vmem_shared>>) target_semaphore(%run_scoped3A : memref<!tpu.dma_semaphore, #tpu.memory_space<semaphore_mem>>)
      %dma_wait3A_76 = arith.constant 0 : i32
      %dma_wait3A_77 = tpu.memref_slice %arg19[%add3A_27, %dma_wait3A_76] : memref<10240x128xf32, #tpu.memory_space<vmem_shared>> -> memref<128x128xf32, #tpu.memory_space<vmem_shared>>
      %dma_wait3A_78 = arith.constant 0 : i32
      %dma_wait3A_79 = tpu.memref_slice %arg19[%add3A_27, %dma_wait3A_78] : memref<10240x128xf32, #tpu.memory_space<vmem_shared>> -> memref<128x128xf32, #tpu.memory_space<vmem_shared>>
      tpu.wait_dma2 semaphore(%run_scoped3A : memref<!tpu.dma_semaphore, #tpu.memory_space<semaphore_mem>>) src(%arg8 : memref<128x128xf32, #tpu.memory_space<vmem>>) dst(%dma_wait3A_79 : memref<128x128xf32, #tpu.memory_space<vmem_shared>>)
      tpu.yield
    }) : () -> ()
    %scan3A_28 = arith.constant 0 : i32
    %scan3A_29 = arith.constant 0 : i32
    %scan3A_30 = arith.constant 80 : i32
    %scan3A_31 = arith.addi %scan3A_29, %scan3A_30 : i32
    %scan3A_32 = arith.constant 1 : i32
    %scan3A_33 = scf.for %scan3A_72 = %scan3A_29 to %scan3A_31 step %scan3A_32 iter_args(%scan3A_73 = %scan3A_28) -> (i32)  : i32 {
      %mul3A_74 = arith.constant 128 : i32
      %mul3A_75 = arith.muli %scan3A_72, %mul3A_74 : i32
      %add3A_76 = arith.constant 0 : i32
      %add3A_77 = arith.addi %mul3A_75, %add3A_76 : i32
      %swap3A = arith.index_cast %add3A_77 : i32 to index
      %swap3A_78 = tpu.vector_load %arg12[%swap3A] {strides = array<i32>} : memref<10240xf32, #tpu.memory_space<vmem>>, vector<16xf32>,
      tpu.vector_store %arg12[%swap3A], %broadcast_in_dim3A_11 {strides = array<i32>} : memref<10240xf32, #tpu.memory_space<vmem>>, vector<16xf32>,
      %mul3A_79 = arith.constant 128 : i32
      %mul3A_80 = arith.muli %scan3A_72, %mul3A_79 : i32
      %add3A_81 = arith.constant 16 : i32
      %add3A_82 = arith.addi %mul3A_80, %add3A_81 : i32
      %swap3A_83 = arith.index_cast %add3A_82 : i32 to index
      %swap3A_84 = tpu.vector_load %arg12[%swap3A_83] {strides = array<i32>} : memref<10240xf32, #tpu.memory_space<vmem>>, vector<16xf32>,
      tpu.vector_store %arg12[%swap3A_83], %broadcast_in_dim3A_11 {strides = array<i32>} : memref<10240xf32, #tpu.memory_space<vmem>>, vector<16xf32>,
      %mul3A_85 = arith.constant 128 : i32
      %mul3A_86 = arith.muli %scan3A_72, %mul3A_85 : i32
      %add3A_87 = arith.constant 32 : i32
      %add3A_88 = arith.addi %mul3A_86, %add3A_87 : i32
      %swap3A_89 = arith.index_cast %add3A_88 : i32 to index
      %swap3A_90 = tpu.vector_load %arg12[%swap3A_89] {strides = array<i32>} : memref<10240xf32, #tpu.memory_space<vmem>>, vector<16xf32>,
      tpu.vector_store %arg12[%swap3A_89], %broadcast_in_dim3A_11 {strides = array<i32>} : memref<10240xf32, #tpu.memory_space<vmem>>, vector<16xf32>,
      %mul3A_91 = arith.constant 128 : i32
      %mul3A_92 = arith.muli %scan3A_72, %mul3A_91 : i32
      %add3A_93 = arith.constant 48 : i32
      %add3A_94 = arith.addi %mul3A_92, %add3A_93 : i32
      %swap3A_95 = arith.index_cast %add3A_94 : i32 to index
      %swap3A_96 = tpu.vector_load %arg12[%swap3A_95] {strides = array<i32>} : memref<10240xf32, #tpu.memory_space<vmem>>, vector<16xf32>,
      tpu.vector_store %arg12[%swap3A_95], %broadcast_in_dim3A_11 {strides = array<i32>} : memref<10240xf32, #tpu.memory_space<vmem>>, vector<16xf32>,
      %mul3A_97 = arith.constant 128 : i32
      %mul3A_98 = arith.muli %scan3A_72, %mul3A_97 : i32
      %add3A_99 = arith.constant 64 : i32
      %add3A_100 = arith.addi %mul3A_98, %add3A_99 : i32
      %swap3A_101 = arith.index_cast %add3A_100 : i32 to index
      %swap3A_102 = tpu.vector_load %arg12[%swap3A_101] {strides = array<i32>} : memref<10240xf32, #tpu.memory_space<vmem>>, vector<16xf32>,
      tpu.vector_store %arg12[%swap3A_101], %broadcast_in_dim3A_11 {strides = array<i32>} : memref<10240xf32, #tpu.memory_space<vmem>>, vector<16xf32>,
      %mul3A_103 = arith.constant 128 : i32
      %mul3A_104 = arith.muli %scan3A_72, %mul3A_103 : i32
      %add3A_105 = arith.constant 80 : i32
      %add3A_106 = arith.addi %mul3A_104, %add3A_105 : i32
      %swap3A_107 = arith.index_cast %add3A_106 : i32 to index
      %swap3A_108 = tpu.vector_load %arg12[%swap3A_107] {strides = array<i32>} : memref<10240xf32, #tpu.memory_space<vmem>>, vector<16xf32>,
      tpu.vector_store %arg12[%swap3A_107], %broadcast_in_dim3A_11 {strides = array<i32>} : memref<10240xf32, #tpu.memory_space<vmem>>, vector<16xf32>,
      %mul3A_109 = arith.constant 128 : i32
      %mul3A_110 = arith.muli %scan3A_72, %mul3A_109 : i32
      %add3A_111 = arith.constant 96 : i32
      %add3A_112 = arith.addi %mul3A_110, %add3A_111 : i32
      %swap3A_113 = arith.index_cast %add3A_112 : i32 to index
      %swap3A_114 = tpu.vector_load %arg12[%swap3A_113] {strides = array<i32>} : memref<10240xf32, #tpu.memory_space<vmem>>, vector<16xf32>,
      tpu.vector_store %arg12[%swap3A_113], %broadcast_in_dim3A_11 {strides = array<i32>} : memref<10240xf32, #tpu.memory_space<vmem>>, vector<16xf32>,
      %mul3A_115 = arith.constant 128 : i32
      %mul3A_116 = arith.muli %scan3A_72, %mul3A_115 : i32
      %add3A_117 = arith.constant 112 : i32
      %add3A_118 = arith.addi %mul3A_116, %add3A_117 : i32
      %swap3A_119 = arith.index_cast %add3A_118 : i32 to index
      %swap3A_120 = tpu.vector_load %arg12[%swap3A_119] {strides = array<i32>} : memref<10240xf32, #tpu.memory_space<vmem>>, vector<16xf32>,
      tpu.vector_store %arg12[%swap3A_119], %broadcast_in_dim3A_11 {strides = array<i32>} : memref<10240xf32, #tpu.memory_space<vmem>>, vector<16xf32>,
      %scan3A_121 = arith.constant 0 : i32
      scf.yield %scan3A_121 : i32
    }
    %scan3A_34 = arith.constant 80 : i32
    "tpu.region"() ({
      %run_scoped3A = tpu.sem_alloc : memref<!tpu.dma_semaphore, #tpu.memory_space<semaphore_mem>>
      %dma_start3A_72 = tpu.memref_slice %arg3[%mul3A_4] : memref<320000xi32, #tpu.memory_space<hbm>> -> memref<16xi32, #tpu.memory_space<hbm>>
      %dma_start3A_73 = tpu.memref_slice %arg3[%mul3A_4] : memref<320000xi32, #tpu.memory_space<hbm>> -> memref<16xi32, #tpu.memory_space<hbm>>
      tpu.enqueue_dma source(%dma_start3A_73 : memref<16xi32, #tpu.memory_space<hbm>>) target(%arg10 : memref<16xi32, #tpu.memory_space<vmem>>) target_semaphore(%run_scoped3A : memref<!tpu.dma_semaphore, #tpu.memory_space<semaphore_mem>>)
      %dma_wait3A_74 = tpu.memref_slice %arg3[%mul3A_4] : memref<320000xi32, #tpu.memory_space<hbm>> -> memref<16xi32, #tpu.memory_space<hbm>>
      %dma_wait3A_75 = tpu.memref_slice %arg3[%mul3A_4] : memref<320000xi32, #tpu.memory_space<hbm>> -> memref<16xi32, #tpu.memory_space<hbm>>
      tpu.wait_dma2 semaphore(%run_scoped3A : memref<!tpu.dma_semaphore, #tpu.memory_space<semaphore_mem>>) src(%dma_wait3A_75 : memref<16xi32, #tpu.memory_space<hbm>>) dst(%arg10 : memref<16xi32, #tpu.memory_space<vmem>>)
      tpu.yield
    }) : () -> ()
    %broadcast_in_dim3A_35 = arith.constant 0 : i32
    %broadcast_in_dim3A_36 = vector.broadcast %broadcast_in_dim3A_35 : i32 to vector<16xi32>
    %gather3A = tpu.vector_load_idx %arg10[%broadcast_in_dim3A_36] : memref<16xi32, #tpu.memory_space<vmem>>[vector<16xi32>], vector<16xi32>,
    %barrier3A = arith.constant 0 : index
    tpu.barrier barrier_id(%barrier3A)
    %add3A_37 = arith.constant 0 : i32
    %add3A_38 = arith.addi %mul3A_4, %add3A_37 : i32
    %dma_start3A = tpu.memref_slice %arg3[%add3A_38] : memref<320000xi32, #tpu.memory_space<hbm>> -> memref<128xi32, #tpu.memory_space<hbm>>
    %dma_start3A_39 = tpu.memref_slice %arg3[%add3A_38] : memref<320000xi32, #tpu.memory_space<hbm>> -> memref<128xi32, #tpu.memory_space<hbm>>
    tpu.enqueue_dma source(%dma_start3A_39 : memref<128xi32, #tpu.memory_space<hbm>>) target(%arg6 : memref<128xi32, #tpu.memory_space<vmem>>) target_semaphore(%arg13 : memref<!tpu.dma_semaphore, #tpu.memory_space<semaphore_mem>>)
    %dma_start3A_40 = arith.constant 0 : i32
    %dma_start3A_41 = tpu.memref_slice %arg2[%add3A_38, %dma_start3A_40] : memref<320000x128xf32, #tpu.memory_space<hbm>> -> memref<128x128xf32, #tpu.memory_space<hbm>>
    %dma_start3A_42 = arith.constant 0 : i32
    %dma_start3A_43 = tpu.memref_slice %arg2[%add3A_38, %dma_start3A_42] : memref<320000x128xf32, #tpu.memory_space<hbm>> -> memref<128x128xf32, #tpu.memory_space<hbm>>
    tpu.enqueue_dma source(%dma_start3A_43 : memref<128x128xf32, #tpu.memory_space<hbm>>) target(%arg8 : memref<128x128xf32, #tpu.memory_space<vmem>>) target_semaphore(%arg15 : memref<!tpu.dma_semaphore, #tpu.memory_space<semaphore_mem>>)
    %scan3A_44 = arith.constant 0 : i32
    %scan3A_45 = arith.constant 39 : i32
    %scan3A_46 = arith.addi %scan3A_44, %scan3A_45 : i32
    %scan3A_47 = arith.constant 1 : i32
    %scan3A_48 = scf.for %scan3A_72 = %scan3A_44 to %scan3A_46 step %scan3A_47 iter_args(%scan3A_73 = %gather3A) -> (vector<16xi32>)  : i32 {
      %mul3A_74 = arith.constant 2 : i32
      %mul3A_75 = arith.muli %scan3A_72, %mul3A_74 : i32
      %add3A_76 = arith.constant 0 : i32
      %add3A_77 = arith.addi %mul3A_75, %add3A_76 : i32
      %dma_wait3A_78 = arith.constant 0 : i32
      %dma_wait3A_79 = tpu.memref_slice %arg3[%dma_wait3A_78] : memref<320000xi32, #tpu.memory_space<hbm>> -> memref<128xi32, #tpu.memory_space<hbm>>
      %dma_wait3A_80 = arith.constant 0 : i32
      %dma_wait3A_81 = tpu.memref_slice %arg3[%dma_wait3A_80] : memref<320000xi32, #tpu.memory_space<hbm>> -> memref<128xi32, #tpu.memory_space<hbm>>
      tpu.wait_dma2 semaphore(%arg13 : memref<!tpu.dma_semaphore, #tpu.memory_space<semaphore_mem>>) src(%dma_wait3A_81 : memref<128xi32, #tpu.memory_space<hbm>>) dst(%arg6 : memref<128xi32, #tpu.memory_space<vmem>>)
      %dma_wait3A_82 = arith.constant 0 : i32
      %dma_wait3A_83 = arith.constant 0 : i32
      %dma_wait3A_84 = tpu.memref_slice %arg2[%dma_wait3A_82, %dma_wait3A_83] : memref<320000x128xf32, #tpu.memory_space<hbm>> -> memref<128x128xf32, #tpu.memory_space<hbm>>
      %dma_wait3A_85 = arith.constant 0 : i32
      %dma_wait3A_86 = arith.constant 0 : i32
      %dma_wait3A_87 = tpu.memref_slice %arg2[%dma_wait3A_85, %dma_wait3A_86] : memref<320000x128xf32, #tpu.memory_space<hbm>> -> memref<128x128xf32, #tpu.memory_space<hbm>>
      tpu.wait_dma2 semaphore(%arg15 : memref<!tpu.dma_semaphore, #tpu.memory_space<semaphore_mem>>) src(%dma_wait3A_87 : memref<128x128xf32, #tpu.memory_space<hbm>>) dst(%arg8 : memref<128x128xf32, #tpu.memory_space<vmem>>)
      %dma_start3A_88 = arith.constant 0 : i32
      %dma_start3A_89 = arith.constant 0 : i32
      %dma_start3A_90 = tpu.memref_slice %arg19[%dma_start3A_88, %dma_start3A_89] : memref<10240x128xf32, #tpu.memory_space<vmem_shared>> -> memref<10240x128xf32, #tpu.memory_space<vmem_shared>>
      tpu.enqueue_indirect_dma source(%arg8 : memref<128x128xf32, #tpu.memory_space<vmem>>) target(%dma_start3A_90 : memref<10240x128xf32, #tpu.memory_space<vmem_shared>>) offsets(%arg6 : memref<128xi32, #tpu.memory_space<vmem>>) semaphore(%arg17 : memref<!tpu.dma_semaphore, #tpu.memory_space<semaphore_mem>>) {add = true}
      %mul3A_91 = arith.constant 128 : i32
      %mul3A_92 = arith.muli %add3A_77, %mul3A_91 : i32
      %get3A_93 = arith.constant 0 : index
      %get3A_94 = tpu.vector_load %arg6[%get3A_93] {strides = array<i32>} : memref<128xi32, #tpu.memory_space<vmem>>, vector<16xi32>,
      %gather3A_95 = tpu.vector_load_idx %arg6[%max3A_8] : memref<128xi32, #tpu.memory_space<vmem>>[vector<16xi32>], vector<16xi32>,
      %select_n3A_96 = arith.select %eq3A_10, %scan3A_73, %gather3A_95 : vector<16xi1>, vector<16xi32>
      %add3A_97 = arith.constant 0 : i32
      %add3A_98 = arith.addi %mul3A_92, %add3A_97 : i32
      %ne3A_99 = arith.cmpi ne, %get3A_94, %select_n3A_96 : vector<16xi32>
      %add3A_100 = vector.broadcast %add3A_98 : i32 to vector<16xi32>
      %add3A_101 = arith.addi %add3A_100, %iota3A : vector<16xi32>
      %convert_element_type3A_102 = arith.sitofp %add3A_101 : vector<16xi32> to vector<16xf32>
      %neg3A_103 = arith.constant 0.000000e+00 : f32
      %neg3A_104 = vector.broadcast %neg3A_103 : f32 to vector<16xf32>
      %neg3A_105 = arith.subf %neg3A_104, %convert_element_type3A_102 : vector<16xf32>
      tpu.vector_store_idx %arg12[%get3A_94], %neg3A_105 masked %ne3A_99 {add = true} : memref<10240xf32, #tpu.memory_space<vmem>>[vector<16xi32>], vector<16xf32>, vector<16xi1>
      tpu.vector_store_idx %arg12[%select_n3A_96], %convert_element_type3A_102 masked %ne3A_99 {add = true} : memref<10240xf32, #tpu.memory_space<vmem>>[vector<16xi32>], vector<16xf32>, vector<16xi1>
      %get3A_106 = arith.constant 16 : index
      %get3A_107 = tpu.vector_load %arg6[%get3A_106] {strides = array<i32>} : memref<128xi32, #tpu.memory_space<vmem>>, vector<16xi32>,
      %get3A_108 = arith.constant 15 : index
      %get3A_109 = tpu.vector_load %arg6[%get3A_108] {strides = array<i32>} : memref<128xi32, #tpu.memory_space<vmem>>, vector<16xi32>,
      %add3A_110 = arith.constant 16 : i32
      %add3A_111 = arith.addi %mul3A_92, %add3A_110 : i32
      %ne3A_112 = arith.cmpi ne, %get3A_107, %get3A_109 : vector<16xi32>
      %add3A_113 = vector.broadcast %add3A_111 : i32 to vector<16xi32>
      %add3A_114 = arith.addi %add3A_113, %iota3A : vector<16xi32>
      %convert_element_type3A_115 = arith.sitofp %add3A_114 : vector<16xi32> to vector<16xf32>
      %neg3A_116 = arith.constant 0.000000e+00 : f32
      %neg3A_117 = vector.broadcast %neg3A_116 : f32 to vector<16xf32>
      %neg3A_118 = arith.subf %neg3A_117, %convert_element_type3A_115 : vector<16xf32>
      tpu.vector_store_idx %arg12[%get3A_107], %neg3A_118 masked %ne3A_112 {add = true} : memref<10240xf32, #tpu.memory_space<vmem>>[vector<16xi32>], vector<16xf32>, vector<16xi1>
      tpu.vector_store_idx %arg12[%get3A_109], %convert_element_type3A_115 masked %ne3A_112 {add = true} : memref<10240xf32, #tpu.memory_space<vmem>>[vector<16xi32>], vector<16xf32>, vector<16xi1>
      %get3A_119 = arith.constant 32 : index
      %get3A_120 = tpu.vector_load %arg6[%get3A_119] {strides = array<i32>} : memref<128xi32, #tpu.memory_space<vmem>>, vector<16xi32>,
      %get3A_121 = arith.constant 31 : index
      %get3A_122 = tpu.vector_load %arg6[%get3A_121] {strides = array<i32>} : memref<128xi32, #tpu.memory_space<vmem>>, vector<16xi32>,
      %add3A_123 = arith.constant 32 : i32
      %add3A_124 = arith.addi %mul3A_92, %add3A_123 : i32
      %ne3A_125 = arith.cmpi ne, %get3A_120, %get3A_122 : vector<16xi32>
      %add3A_126 = vector.broadcast %add3A_124 : i32 to vector<16xi32>
      %add3A_127 = arith.addi %add3A_126, %iota3A : vector<16xi32>
      %convert_element_type3A_128 = arith.sitofp %add3A_127 : vector<16xi32> to vector<16xf32>
      %neg3A_129 = arith.constant 0.000000e+00 : f32
      %neg3A_130 = vector.broadcast %neg3A_129 : f32 to vector<16xf32>
      %neg3A_131 = arith.subf %neg3A_130, %convert_element_type3A_128 : vector<16xf32>
      tpu.vector_store_idx %arg12[%get3A_120], %neg3A_131 masked %ne3A_125 {add = true} : memref<10240xf32, #tpu.memory_space<vmem>>[vector<16xi32>], vector<16xf32>, vector<16xi1>
      tpu.vector_store_idx %arg12[%get3A_122], %convert_element_type3A_128 masked %ne3A_125 {add = true} : memref<10240xf32, #tpu.memory_space<vmem>>[vector<16xi32>], vector<16xf32>, vector<16xi1>
      %get3A_132 = arith.constant 48 : index
      %get3A_133 = tpu.vector_load %arg6[%get3A_132] {strides = array<i32>} : memref<128xi32, #tpu.memory_space<vmem>>, vector<16xi32>,
      %get3A_134 = arith.constant 47 : index
      %get3A_135 = tpu.vector_load %arg6[%get3A_134] {strides = array<i32>} : memref<128xi32, #tpu.memory_space<vmem>>, vector<16xi32>,
      %add3A_136 = arith.constant 48 : i32
      %add3A_137 = arith.addi %mul3A_92, %add3A_136 : i32
      %ne3A_138 = arith.cmpi ne, %get3A_133, %get3A_135 : vector<16xi32>
      %add3A_139 = vector.broadcast %add3A_137 : i32 to vector<16xi32>
      %add3A_140 = arith.addi %add3A_139, %iota3A : vector<16xi32>
      %convert_element_type3A_141 = arith.sitofp %add3A_140 : vector<16xi32> to vector<16xf32>
      %neg3A_142 = arith.constant 0.000000e+00 : f32
      %neg3A_143 = vector.broadcast %neg3A_142 : f32 to vector<16xf32>
      %neg3A_144 = arith.subf %neg3A_143, %convert_element_type3A_141 : vector<16xf32>
      tpu.vector_store_idx %arg12[%get3A_133], %neg3A_144 masked %ne3A_138 {add = true} : memref<10240xf32, #tpu.memory_space<vmem>>[vector<16xi32>], vector<16xf32>, vector<16xi1>
      tpu.vector_store_idx %arg12[%get3A_135], %convert_element_type3A_141 masked %ne3A_138 {add = true} : memref<10240xf32, #tpu.memory_space<vmem>>[vector<16xi32>], vector<16xf32>, vector<16xi1>
      %get3A_145 = arith.constant 64 : index
      %get3A_146 = tpu.vector_load %arg6[%get3A_145] {strides = array<i32>} : memref<128xi32, #tpu.memory_space<vmem>>, vector<16xi32>,
      %get3A_147 = arith.constant 63 : index
      %get3A_148 = tpu.vector_load %arg6[%get3A_147] {strides = array<i32>} : memref<128xi32, #tpu.memory_space<vmem>>, vector<16xi32>,
      %add3A_149 = arith.constant 64 : i32
      %add3A_150 = arith.addi %mul3A_92, %add3A_149 : i32
      %ne3A_151 = arith.cmpi ne, %get3A_146, %get3A_148 : vector<16xi32>
      %add3A_152 = vector.broadcast %add3A_150 : i32 to vector<16xi32>
      %add3A_153 = arith.addi %add3A_152, %iota3A : vector<16xi32>
      %convert_element_type3A_154 = arith.sitofp %add3A_153 : vector<16xi32> to vector<16xf32>
      %neg3A_155 = arith.constant 0.000000e+00 : f32
      %neg3A_156 = vector.broadcast %neg3A_155 : f32 to vector<16xf32>
      %neg3A_157 = arith.subf %neg3A_156, %convert_element_type3A_154 : vector<16xf32>
      tpu.vector_store_idx %arg12[%get3A_146], %neg3A_157 masked %ne3A_151 {add = true} : memref<10240xf32, #tpu.memory_space<vmem>>[vector<16xi32>], vector<16xf32>, vector<16xi1>
      tpu.vector_store_idx %arg12[%get3A_148], %convert_element_type3A_154 masked %ne3A_151 {add = true} : memref<10240xf32, #tpu.memory_space<vmem>>[vector<16xi32>], vector<16xf32>, vector<16xi1>
      %get3A_158 = arith.constant 80 : index
      %get3A_159 = tpu.vector_load %arg6[%get3A_158] {strides = array<i32>} : memref<128xi32, #tpu.memory_space<vmem>>, vector<16xi32>,
      %get3A_160 = arith.constant 79 : index
      %get3A_161 = tpu.vector_load %arg6[%get3A_160] {strides = array<i32>} : memref<128xi32, #tpu.memory_space<vmem>>, vector<16xi32>,
      %add3A_162 = arith.constant 80 : i32
      %add3A_163 = arith.addi %mul3A_92, %add3A_162 : i32
      %ne3A_164 = arith.cmpi ne, %get3A_159, %get3A_161 : vector<16xi32>
      %add3A_165 = vector.broadcast %add3A_163 : i32 to vector<16xi32>
      %add3A_166 = arith.addi %add3A_165, %iota3A : vector<16xi32>
      %convert_element_type3A_167 = arith.sitofp %add3A_166 : vector<16xi32> to vector<16xf32>
      %neg3A_168 = arith.constant 0.000000e+00 : f32
      %neg3A_169 = vector.broadcast %neg3A_168 : f32 to vector<16xf32>
      %neg3A_170 = arith.subf %neg3A_169, %convert_element_type3A_167 : vector<16xf32>
      tpu.vector_store_idx %arg12[%get3A_159], %neg3A_170 masked %ne3A_164 {add = true} : memref<10240xf32, #tpu.memory_space<vmem>>[vector<16xi32>], vector<16xf32>, vector<16xi1>
      tpu.vector_store_idx %arg12[%get3A_161], %convert_element_type3A_167 masked %ne3A_164 {add = true} : memref<10240xf32, #tpu.memory_space<vmem>>[vector<16xi32>], vector<16xf32>, vector<16xi1>
      %get3A_171 = arith.constant 96 : index
      %get3A_172 = tpu.vector_load %arg6[%get3A_171] {strides = array<i32>} : memref<128xi32, #tpu.memory_space<vmem>>, vector<16xi32>,
      %get3A_173 = arith.constant 95 : index
      %get3A_174 = tpu.vector_load %arg6[%get3A_173] {strides = array<i32>} : memref<128xi32, #tpu.memory_space<vmem>>, vector<16xi32>,
      %add3A_175 = arith.constant 96 : i32
      %add3A_176 = arith.addi %mul3A_92, %add3A_175 : i32
      %ne3A_177 = arith.cmpi ne, %get3A_172, %get3A_174 : vector<16xi32>
      %add3A_178 = vector.broadcast %add3A_176 : i32 to vector<16xi32>
      %add3A_179 = arith.addi %add3A_178, %iota3A : vector<16xi32>
      %convert_element_type3A_180 = arith.sitofp %add3A_179 : vector<16xi32> to vector<16xf32>
      %neg3A_181 = arith.constant 0.000000e+00 : f32
      %neg3A_182 = vector.broadcast %neg3A_181 : f32 to vector<16xf32>
      %neg3A_183 = arith.subf %neg3A_182, %convert_element_type3A_180 : vector<16xf32>
      tpu.vector_store_idx %arg12[%get3A_172], %neg3A_183 masked %ne3A_177 {add = true} : memref<10240xf32, #tpu.memory_space<vmem>>[vector<16xi32>], vector<16xf32>, vector<16xi1>
      tpu.vector_store_idx %arg12[%get3A_174], %convert_element_type3A_180 masked %ne3A_177 {add = true} : memref<10240xf32, #tpu.memory_space<vmem>>[vector<16xi32>], vector<16xf32>, vector<16xi1>
      %get3A_184 = arith.constant 112 : index
      %get3A_185 = tpu.vector_load %arg6[%get3A_184] {strides = array<i32>} : memref<128xi32, #tpu.memory_space<vmem>>, vector<16xi32>,
      %get3A_186 = arith.constant 111 : index
      %get3A_187 = tpu.vector_load %arg6[%get3A_186] {strides = array<i32>} : memref<128xi32, #tpu.memory_space<vmem>>, vector<16xi32>,
      %add3A_188 = arith.constant 112 : i32
      %add3A_189 = arith.addi %mul3A_92, %add3A_188 : i32
      %ne3A_190 = arith.cmpi ne, %get3A_185, %get3A_187 : vector<16xi32>
      %add3A_191 = vector.broadcast %add3A_189 : i32 to vector<16xi32>
      %add3A_192 = arith.addi %add3A_191, %iota3A : vector<16xi32>
      %convert_element_type3A_193 = arith.sitofp %add3A_192 : vector<16xi32> to vector<16xf32>
      %neg3A_194 = arith.constant 0.000000e+00 : f32
      %neg3A_195 = vector.broadcast %neg3A_194 : f32 to vector<16xf32>
      %neg3A_196 = arith.subf %neg3A_195, %convert_element_type3A_193 : vector<16xf32>
      tpu.vector_store_idx %arg12[%get3A_185], %neg3A_196 masked %ne3A_190 {add = true} : memref<10240xf32, #tpu.memory_space<vmem>>[vector<16xi32>], vector<16xf32>, vector<16xi1>
      tpu.vector_store_idx %arg12[%get3A_187], %convert_element_type3A_193 masked %ne3A_190 {add = true} : memref<10240xf32, #tpu.memory_space<vmem>>[vector<16xi32>], vector<16xf32>, vector<16xi1>
      %broadcast_in_dim3A_197 = arith.constant 127 : i32
      %broadcast_in_dim3A_198 = vector.broadcast %broadcast_in_dim3A_197 : i32 to vector<16xi32>
      %gather3A_199 = tpu.vector_load_idx %arg6[%broadcast_in_dim3A_198] : memref<128xi32, #tpu.memory_space<vmem>>[vector<16xi32>], vector<16xi32>,
      %ge3A = arith.constant 1 : i32
      %ge3A_200 = arith.cmpi sge, %add3A_77, %ge3A : i32
      %convert_element_type3A_201 = arith.extui %ge3A_200 : i1 to i32
      %cond3A = arith.constant 0 : i32
      %cond3A_202 = arith.cmpi ne, %convert_element_type3A_201, %cond3A : i32
      scf.if %cond3A_202 {
        %dma_wait3A_347 = arith.constant 0 : i32
        %dma_wait3A_348 = arith.constant 0 : i32
        %dma_wait3A_349 = tpu.memref_slice %arg19[%dma_wait3A_347, %dma_wait3A_348] : memref<10240x128xf32, #tpu.memory_space<vmem_shared>> -> memref<10240x128xf32, #tpu.memory_space<vmem_shared>>
        tpu.wait_indirect_dma semaphore(%arg18 : memref<!tpu.dma_semaphore, #tpu.memory_space<semaphore_mem>>) src(%arg9 : memref<128x128xf32, #tpu.memory_space<vmem>>) dst(%dma_wait3A_349 : memref<10240x128xf32, #tpu.memory_space<vmem_shared>>)
      } else {
      }
      %add3A_203 = arith.constant 1 : i32
      %add3A_204 = arith.addi %add3A_77, %add3A_203 : i32
      %lt3A = arith.constant 78 : i32
      %lt3A_205 = arith.cmpi slt, %add3A_204, %lt3A : i32
      %convert_element_type3A_206 = arith.extui %lt3A_205 : i1 to i32
      %cond3A_207 = arith.constant 0 : i32
      %cond3A_208 = arith.cmpi ne, %convert_element_type3A_206, %cond3A_207 : i32
      scf.if %cond3A_208 {
        %add3A_347 = arith.constant 1 : i32
        %add3A_348 = arith.addi %add3A_77, %add3A_347 : i32
        %mul3A_349 = arith.constant 128 : i32
        %mul3A_350 = arith.muli %add3A_348, %mul3A_349 : i32
        %add3A_351 = arith.addi %mul3A_4, %mul3A_350 : i32
        %dma_start3A_352 = tpu.memref_slice %arg3[%add3A_351] : memref<320000xi32, #tpu.memory_space<hbm>> -> memref<128xi32, #tpu.memory_space<hbm>>
        %dma_start3A_353 = tpu.memref_slice %arg3[%add3A_351] : memref<320000xi32, #tpu.memory_space<hbm>> -> memref<128xi32, #tpu.memory_space<hbm>>
        tpu.enqueue_dma source(%dma_start3A_353 : memref<128xi32, #tpu.memory_space<hbm>>) target(%arg7 : memref<128xi32, #tpu.memory_space<vmem>>) target_semaphore(%arg14 : memref<!tpu.dma_semaphore, #tpu.memory_space<semaphore_mem>>)
        %dma_start3A_354 = arith.constant 0 : i32
        %dma_start3A_355 = tpu.memref_slice %arg2[%add3A_351, %dma_start3A_354] : memref<320000x128xf32, #tpu.memory_space<hbm>> -> memref<128x128xf32, #tpu.memory_space<hbm>>
        %dma_start3A_356 = arith.constant 0 : i32
        %dma_start3A_357 = tpu.memref_slice %arg2[%add3A_351, %dma_start3A_356] : memref<320000x128xf32, #tpu.memory_space<hbm>> -> memref<128x128xf32, #tpu.memory_space<hbm>>
        tpu.enqueue_dma source(%dma_start3A_357 : memref<128x128xf32, #tpu.memory_space<hbm>>) target(%arg9 : memref<128x128xf32, #tpu.memory_space<vmem>>) target_semaphore(%arg16 : memref<!tpu.dma_semaphore, #tpu.memory_space<semaphore_mem>>)
      } else {
      }
      %mul3A_209 = arith.constant 2 : i32
      %mul3A_210 = arith.muli %scan3A_72, %mul3A_209 : i32
      %add3A_211 = arith.constant 1 : i32
      %add3A_212 = arith.addi %mul3A_210, %add3A_211 : i32
      %dma_wait3A_213 = arith.constant 0 : i32
      %dma_wait3A_214 = tpu.memref_slice %arg3[%dma_wait3A_213] : memref<320000xi32, #tpu.memory_space<hbm>> -> memref<128xi32, #tpu.memory_space<hbm>>
      %dma_wait3A_215 = arith.constant 0 : i32
      %dma_wait3A_216 = tpu.memref_slice %arg3[%dma_wait3A_215] : memref<320000xi32, #tpu.memory_space<hbm>> -> memref<128xi32, #tpu.memory_space<hbm>>
      tpu.wait_dma2 semaphore(%arg14 : memref<!tpu.dma_semaphore, #tpu.memory_space<semaphore_mem>>) src(%dma_wait3A_216 : memref<128xi32, #tpu.memory_space<hbm>>) dst(%arg7 : memref<128xi32, #tpu.memory_space<vmem>>)
      %dma_wait3A_217 = arith.constant 0 : i32
      %dma_wait3A_218 = arith.constant 0 : i32
      %dma_wait3A_219 = tpu.memref_slice %arg2[%dma_wait3A_217, %dma_wait3A_218] : memref<320000x128xf32, #tpu.memory_space<hbm>> -> memref<128x128xf32, #tpu.memory_space<hbm>>
      %dma_wait3A_220 = arith.constant 0 : i32
      %dma_wait3A_221 = arith.constant 0 : i32
      %dma_wait3A_222 = tpu.memref_slice %arg2[%dma_wait3A_220, %dma_wait3A_221] : memref<320000x128xf32, #tpu.memory_space<hbm>> -> memref<128x128xf32, #tpu.memory_space<hbm>>
      tpu.wait_dma2 semaphore(%arg16 : memref<!tpu.dma_semaphore, #tpu.memory_space<semaphore_mem>>) src(%dma_wait3A_222 : memref<128x128xf32, #tpu.memory_space<hbm>>) dst(%arg9 : memref<128x128xf32, #tpu.memory_space<vmem>>)
      %dma_start3A_223 = arith.constant 0 : i32
      %dma_start3A_224 = arith.constant 0 : i32
      %dma_start3A_225 = tpu.memref_slice %arg19[%dma_start3A_223, %dma_start3A_224] : memref<10240x128xf32, #tpu.memory_space<vmem_shared>> -> memref<10240x128xf32, #tpu.memory_space<vmem_shared>>
      tpu.enqueue_indirect_dma source(%arg9 : memref<128x128xf32, #tpu.memory_space<vmem>>) target(%dma_start3A_225 : memref<10240x128xf32, #tpu.memory_space<vmem_shared>>) offsets(%arg7 : memref<128xi32, #tpu.memory_space<vmem>>) semaphore(%arg18 : memref<!tpu.dma_semaphore, #tpu.memory_space<semaphore_mem>>) {add = true}
      %mul3A_226 = arith.constant 128 : i32
      %mul3A_227 = arith.muli %add3A_212, %mul3A_226 : i32
      %get3A_228 = arith.constant 0 : index
      %get3A_229 = tpu.vector_load %arg7[%get3A_228] {strides = array<i32>} : memref<128xi32, #tpu.memory_space<vmem>>, vector<16xi32>,
      %gather3A_230 = tpu.vector_load_idx %arg7[%max3A_8] : memref<128xi32, #tpu.memory_space<vmem>>[vector<16xi32>], vector<16xi32>,
      %select_n3A_231 = arith.select %eq3A_10, %gather3A_199, %gather3A_230 : vector<16xi1>, vector<16xi32>
      %add3A_232 = arith.constant 0 : i32
      %add3A_233 = arith.addi %mul3A_227, %add3A_232 : i32
      %ne3A_234 = arith.cmpi ne, %get3A_229, %select_n3A_231 : vector<16xi32>
      %add3A_235 = vector.broadcast %add3A_233 : i32 to vector<16xi32>
      %add3A_236 = arith.addi %add3A_235, %iota3A : vector<16xi32>
      %convert_element_type3A_237 = arith.sitofp %add3A_236 : vector<16xi32> to vector<16xf32>
      %neg3A_238 = arith.constant 0.000000e+00 : f32
      %neg3A_239 = vector.broadcast %neg3A_238 : f32 to vector<16xf32>
      %neg3A_240 = arith.subf %neg3A_239, %convert_element_type3A_237 : vector<16xf32>
      tpu.vector_store_idx %arg12[%get3A_229], %neg3A_240 masked %ne3A_234 {add = true} : memref<10240xf32, #tpu.memory_space<vmem>>[vector<16xi32>], vector<16xf32>, vector<16xi1>
      tpu.vector_store_idx %arg12[%select_n3A_231], %convert_element_type3A_237 masked %ne3A_234 {add = true} : memref<10240xf32, #tpu.memory_space<vmem>>[vector<16xi32>], vector<16xf32>, vector<16xi1>
      %get3A_241 = arith.constant 16 : index
      %get3A_242 = tpu.vector_load %arg7[%get3A_241] {strides = array<i32>} : memref<128xi32, #tpu.memory_space<vmem>>, vector<16xi32>,
      %get3A_243 = arith.constant 15 : index
      %get3A_244 = tpu.vector_load %arg7[%get3A_243] {strides = array<i32>} : memref<128xi32, #tpu.memory_space<vmem>>, vector<16xi32>,
      %add3A_245 = arith.constant 16 : i32
      %add3A_246 = arith.addi %mul3A_227, %add3A_245 : i32
      %ne3A_247 = arith.cmpi ne, %get3A_242, %get3A_244 : vector<16xi32>
      %add3A_248 = vector.broadcast %add3A_246 : i32 to vector<16xi32>
      %add3A_249 = arith.addi %add3A_248, %iota3A : vector<16xi32>
      %convert_element_type3A_250 = arith.sitofp %add3A_249 : vector<16xi32> to vector<16xf32>
      %neg3A_251 = arith.constant 0.000000e+00 : f32
      %neg3A_252 = vector.broadcast %neg3A_251 : f32 to vector<16xf32>
      %neg3A_253 = arith.subf %neg3A_252, %convert_element_type3A_250 : vector<16xf32>
      tpu.vector_store_idx %arg12[%get3A_242], %neg3A_253 masked %ne3A_247 {add = true} : memref<10240xf32, #tpu.memory_space<vmem>>[vector<16xi32>], vector<16xf32>, vector<16xi1>
      tpu.vector_store_idx %arg12[%get3A_244], %convert_element_type3A_250 masked %ne3A_247 {add = true} : memref<10240xf32, #tpu.memory_space<vmem>>[vector<16xi32>], vector<16xf32>, vector<16xi1>
      %get3A_254 = arith.constant 32 : index
      %get3A_255 = tpu.vector_load %arg7[%get3A_254] {strides = array<i32>} : memref<128xi32, #tpu.memory_space<vmem>>, vector<16xi32>,
      %get3A_256 = arith.constant 31 : index
      %get3A_257 = tpu.vector_load %arg7[%get3A_256] {strides = array<i32>} : memref<128xi32, #tpu.memory_space<vmem>>, vector<16xi32>,
      %add3A_258 = arith.constant 32 : i32
      %add3A_259 = arith.addi %mul3A_227, %add3A_258 : i32
      %ne3A_260 = arith.cmpi ne, %get3A_255, %get3A_257 : vector<16xi32>
      %add3A_261 = vector.broadcast %add3A_259 : i32 to vector<16xi32>
      %add3A_262 = arith.addi %add3A_261, %iota3A : vector<16xi32>
      %convert_element_type3A_263 = arith.sitofp %add3A_262 : vector<16xi32> to vector<16xf32>
      %neg3A_264 = arith.constant 0.000000e+00 : f32
      %neg3A_265 = vector.broadcast %neg3A_264 : f32 to vector<16xf32>
      %neg3A_266 = arith.subf %neg3A_265, %convert_element_type3A_263 : vector<16xf32>
      tpu.vector_store_idx %arg12[%get3A_255], %neg3A_266 masked %ne3A_260 {add = true} : memref<10240xf32, #tpu.memory_space<vmem>>[vector<16xi32>], vector<16xf32>, vector<16xi1>
      tpu.vector_store_idx %arg12[%get3A_257], %convert_element_type3A_263 masked %ne3A_260 {add = true} : memref<10240xf32, #tpu.memory_space<vmem>>[vector<16xi32>], vector<16xf32>, vector<16xi1>
      %get3A_267 = arith.constant 48 : index
      %get3A_268 = tpu.vector_load %arg7[%get3A_267] {strides = array<i32>} : memref<128xi32, #tpu.memory_space<vmem>>, vector<16xi32>,
      %get3A_269 = arith.constant 47 : index
      %get3A_270 = tpu.vector_load %arg7[%get3A_269] {strides = array<i32>} : memref<128xi32, #tpu.memory_space<vmem>>, vector<16xi32>,
      %add3A_271 = arith.constant 48 : i32
      %add3A_272 = arith.addi %mul3A_227, %add3A_271 : i32
      %ne3A_273 = arith.cmpi ne, %get3A_268, %get3A_270 : vector<16xi32>
      %add3A_274 = vector.broadcast %add3A_272 : i32 to vector<16xi32>
      %add3A_275 = arith.addi %add3A_274, %iota3A : vector<16xi32>
      %convert_element_type3A_276 = arith.sitofp %add3A_275 : vector<16xi32> to vector<16xf32>
      %neg3A_277 = arith.constant 0.000000e+00 : f32
      %neg3A_278 = vector.broadcast %neg3A_277 : f32 to vector<16xf32>
      %neg3A_279 = arith.subf %neg3A_278, %convert_element_type3A_276 : vector<16xf32>
      tpu.vector_store_idx %arg12[%get3A_268], %neg3A_279 masked %ne3A_273 {add = true} : memref<10240xf32, #tpu.memory_space<vmem>>[vector<16xi32>], vector<16xf32>, vector<16xi1>
      tpu.vector_store_idx %arg12[%get3A_270], %convert_element_type3A_276 masked %ne3A_273 {add = true} : memref<10240xf32, #tpu.memory_space<vmem>>[vector<16xi32>], vector<16xf32>, vector<16xi1>
      %get3A_280 = arith.constant 64 : index
      %get3A_281 = tpu.vector_load %arg7[%get3A_280] {strides = array<i32>} : memref<128xi32, #tpu.memory_space<vmem>>, vector<16xi32>,
      %get3A_282 = arith.constant 63 : index
      %get3A_283 = tpu.vector_load %arg7[%get3A_282] {strides = array<i32>} : memref<128xi32, #tpu.memory_space<vmem>>, vector<16xi32>,
      %add3A_284 = arith.constant 64 : i32
      %add3A_285 = arith.addi %mul3A_227, %add3A_284 : i32
      %ne3A_286 = arith.cmpi ne, %get3A_281, %get3A_283 : vector<16xi32>
      %add3A_287 = vector.broadcast %add3A_285 : i32 to vector<16xi32>
      %add3A_288 = arith.addi %add3A_287, %iota3A : vector<16xi32>
      %convert_element_type3A_289 = arith.sitofp %add3A_288 : vector<16xi32> to vector<16xf32>
      %neg3A_290 = arith.constant 0.000000e+00 : f32
      %neg3A_291 = vector.broadcast %neg3A_290 : f32 to vector<16xf32>
      %neg3A_292 = arith.subf %neg3A_291, %convert_element_type3A_289 : vector<16xf32>
      tpu.vector_store_idx %arg12[%get3A_281], %neg3A_292 masked %ne3A_286 {add = true} : memref<10240xf32, #tpu.memory_space<vmem>>[vector<16xi32>], vector<16xf32>, vector<16xi1>
      tpu.vector_store_idx %arg12[%get3A_283], %convert_element_type3A_289 masked %ne3A_286 {add = true} : memref<10240xf32, #tpu.memory_space<vmem>>[vector<16xi32>], vector<16xf32>, vector<16xi1>
      %get3A_293 = arith.constant 80 : index
      %get3A_294 = tpu.vector_load %arg7[%get3A_293] {strides = array<i32>} : memref<128xi32, #tpu.memory_space<vmem>>, vector<16xi32>,
      %get3A_295 = arith.constant 79 : index
      %get3A_296 = tpu.vector_load %arg7[%get3A_295] {strides = array<i32>} : memref<128xi32, #tpu.memory_space<vmem>>, vector<16xi32>,
      %add3A_297 = arith.constant 80 : i32
      %add3A_298 = arith.addi %mul3A_227, %add3A_297 : i32
      %ne3A_299 = arith.cmpi ne, %get3A_294, %get3A_296 : vector<16xi32>
      %add3A_300 = vector.broadcast %add3A_298 : i32 to vector<16xi32>
      %add3A_301 = arith.addi %add3A_300, %iota3A : vector<16xi32>
      %convert_element_type3A_302 = arith.sitofp %add3A_301 : vector<16xi32> to vector<16xf32>
      %neg3A_303 = arith.constant 0.000000e+00 : f32
      %neg3A_304 = vector.broadcast %neg3A_303 : f32 to vector<16xf32>
      %neg3A_305 = arith.subf %neg3A_304, %convert_element_type3A_302 : vector<16xf32>
      tpu.vector_store_idx %arg12[%get3A_294], %neg3A_305 masked %ne3A_299 {add = true} : memref<10240xf32, #tpu.memory_space<vmem>>[vector<16xi32>], vector<16xf32>, vector<16xi1>
      tpu.vector_store_idx %arg12[%get3A_296], %convert_element_type3A_302 masked %ne3A_299 {add = true} : memref<10240xf32, #tpu.memory_space<vmem>>[vector<16xi32>], vector<16xf32>, vector<16xi1>
      %get3A_306 = arith.constant 96 : index
      %get3A_307 = tpu.vector_load %arg7[%get3A_306] {strides = array<i32>} : memref<128xi32, #tpu.memory_space<vmem>>, vector<16xi32>,
      %get3A_308 = arith.constant 95 : index
      %get3A_309 = tpu.vector_load %arg7[%get3A_308] {strides = array<i32>} : memref<128xi32, #tpu.memory_space<vmem>>, vector<16xi32>,
      %add3A_310 = arith.constant 96 : i32
      %add3A_311 = arith.addi %mul3A_227, %add3A_310 : i32
      %ne3A_312 = arith.cmpi ne, %get3A_307, %get3A_309 : vector<16xi32>
      %add3A_313 = vector.broadcast %add3A_311 : i32 to vector<16xi32>
      %add3A_314 = arith.addi %add3A_313, %iota3A : vector<16xi32>
      %convert_element_type3A_315 = arith.sitofp %add3A_314 : vector<16xi32> to vector<16xf32>
      %neg3A_316 = arith.constant 0.000000e+00 : f32
      %neg3A_317 = vector.broadcast %neg3A_316 : f32 to vector<16xf32>
      %neg3A_318 = arith.subf %neg3A_317, %convert_element_type3A_315 : vector<16xf32>
      tpu.vector_store_idx %arg12[%get3A_307], %neg3A_318 masked %ne3A_312 {add = true} : memref<10240xf32, #tpu.memory_space<vmem>>[vector<16xi32>], vector<16xf32>, vector<16xi1>
      tpu.vector_store_idx %arg12[%get3A_309], %convert_element_type3A_315 masked %ne3A_312 {add = true} : memref<10240xf32, #tpu.memory_space<vmem>>[vector<16xi32>], vector<16xf32>, vector<16xi1>
      %get3A_319 = arith.constant 112 : index
      %get3A_320 = tpu.vector_load %arg7[%get3A_319] {strides = array<i32>} : memref<128xi32, #tpu.memory_space<vmem>>, vector<16xi32>,
      %get3A_321 = arith.constant 111 : index
      %get3A_322 = tpu.vector_load %arg7[%get3A_321] {strides = array<i32>} : memref<128xi32, #tpu.memory_space<vmem>>, vector<16xi32>,
      %add3A_323 = arith.constant 112 : i32
      %add3A_324 = arith.addi %mul3A_227, %add3A_323 : i32
      %ne3A_325 = arith.cmpi ne, %get3A_320, %get3A_322 : vector<16xi32>
      %add3A_326 = vector.broadcast %add3A_324 : i32 to vector<16xi32>
      %add3A_327 = arith.addi %add3A_326, %iota3A : vector<16xi32>
      %convert_element_type3A_328 = arith.sitofp %add3A_327 : vector<16xi32> to vector<16xf32>
      %neg3A_329 = arith.constant 0.000000e+00 : f32
      %neg3A_330 = vector.broadcast %neg3A_329 : f32 to vector<16xf32>
      %neg3A_331 = arith.subf %neg3A_330, %convert_element_type3A_328 : vector<16xf32>
      tpu.vector_store_idx %arg12[%get3A_320], %neg3A_331 masked %ne3A_325 {add = true} : memref<10240xf32, #tpu.memory_space<vmem>>[vector<16xi32>], vector<16xf32>, vector<16xi1>
      tpu.vector_store_idx %arg12[%get3A_322], %convert_element_type3A_328 masked %ne3A_325 {add = true} : memref<10240xf32, #tpu.memory_space<vmem>>[vector<16xi32>], vector<16xf32>, vector<16xi1>
      %broadcast_in_dim3A_332 = arith.constant 127 : i32
      %broadcast_in_dim3A_333 = vector.broadcast %broadcast_in_dim3A_332 : i32 to vector<16xi32>
      %gather3A_334 = tpu.vector_load_idx %arg7[%broadcast_in_dim3A_333] : memref<128xi32, #tpu.memory_space<vmem>>[vector<16xi32>], vector<16xi32>,
      %ge3A_335 = arith.constant 1 : i32
      %ge3A_336 = arith.cmpi sge, %add3A_212, %ge3A_335 : i32
      %convert_element_type3A_337 = arith.extui %ge3A_336 : i1 to i32
      %cond3A_338 = arith.constant 0 : i32
      %cond3A_339 = arith.cmpi ne, %convert_element_type3A_337, %cond3A_338 : i32
      scf.if %cond3A_339 {
        %dma_wait3A_347 = arith.constant 0 : i32
        %dma_wait3A_348 = arith.constant 0 : i32
        %dma_wait3A_349 = tpu.memref_slice %arg19[%dma_wait3A_347, %dma_wait3A_348] : memref<10240x128xf32, #tpu.memory_space<vmem_shared>> -> memref<10240x128xf32, #tpu.memory_space<vmem_shared>>
        tpu.wait_indirect_dma semaphore(%arg17 : memref<!tpu.dma_semaphore, #tpu.memory_space<semaphore_mem>>) src(%arg8 : memref<128x128xf32, #tpu.memory_space<vmem>>) dst(%dma_wait3A_349 : memref<10240x128xf32, #tpu.memory_space<vmem_shared>>)
      } else {
      }
      %add3A_340 = arith.constant 1 : i32
      %add3A_341 = arith.addi %add3A_212, %add3A_340 : i32
      %lt3A_342 = arith.constant 78 : i32
      %lt3A_343 = arith.cmpi slt, %add3A_341, %lt3A_342 : i32
      %convert_element_type3A_344 = arith.extui %lt3A_343 : i1 to i32
      %cond3A_345 = arith.constant 0 : i32
      %cond3A_346 = arith.cmpi ne, %convert_element_type3A_344, %cond3A_345 : i32
      scf.if %cond3A_346 {
        %add3A_347 = arith.constant 1 : i32
        %add3A_348 = arith.addi %add3A_212, %add3A_347 : i32
        %mul3A_349 = arith.constant 128 : i32
        %mul3A_350 = arith.muli %add3A_348, %mul3A_349 : i32
        %add3A_351 = arith.addi %mul3A_4, %mul3A_350 : i32
        %dma_start3A_352 = tpu.memref_slice %arg3[%add3A_351] : memref<320000xi32, #tpu.memory_space<hbm>> -> memref<128xi32, #tpu.memory_space<hbm>>
        %dma_start3A_353 = tpu.memref_slice %arg3[%add3A_351] : memref<320000xi32, #tpu.memory_space<hbm>> -> memref<128xi32, #tpu.memory_space<hbm>>
        tpu.enqueue_dma source(%dma_start3A_353 : memref<128xi32, #tpu.memory_space<hbm>>) target(%arg6 : memref<128xi32, #tpu.memory_space<vmem>>) target_semaphore(%arg13 : memref<!tpu.dma_semaphore, #tpu.memory_space<semaphore_mem>>)
        %dma_start3A_354 = arith.constant 0 : i32
        %dma_start3A_355 = tpu.memref_slice %arg2[%add3A_351, %dma_start3A_354] : memref<320000x128xf32, #tpu.memory_space<hbm>> -> memref<128x128xf32, #tpu.memory_space<hbm>>
        %dma_start3A_356 = arith.constant 0 : i32
        %dma_start3A_357 = tpu.memref_slice %arg2[%add3A_351, %dma_start3A_356] : memref<320000x128xf32, #tpu.memory_space<hbm>> -> memref<128x128xf32, #tpu.memory_space<hbm>>
        tpu.enqueue_dma source(%dma_start3A_357 : memref<128x128xf32, #tpu.memory_space<hbm>>) target(%arg8 : memref<128x128xf32, #tpu.memory_space<vmem>>) target_semaphore(%arg15 : memref<!tpu.dma_semaphore, #tpu.memory_space<semaphore_mem>>)
      } else {
      }
      scf.yield %gather3A_334 : vector<16xi32>
    }
    %scan3A_49 = arith.constant 39 : i32
    %dma_wait3A = arith.constant 0 : i32
    %dma_wait3A_50 = arith.constant 0 : i32
    %dma_wait3A_51 = tpu.memref_slice %arg19[%dma_wait3A, %dma_wait3A_50] : memref<10240x128xf32, #tpu.memory_space<vmem_shared>> -> memref<10240x128xf32, #tpu.memory_space<vmem_shared>>
    tpu.wait_indirect_dma semaphore(%arg18 : memref<!tpu.dma_semaphore, #tpu.memory_space<semaphore_mem>>) src(%arg9 : memref<128x128xf32, #tpu.memory_space<vmem>>) dst(%dma_wait3A_51 : memref<10240x128xf32, #tpu.memory_space<vmem_shared>>)
    %add3A_52 = arith.constant 9984 : i32
    %add3A_53 = arith.addi %mul3A_4, %add3A_52 : i32
    "tpu.region"() ({
      %run_scoped3A = tpu.sem_alloc : memref<!tpu.dma_semaphore, #tpu.memory_space<semaphore_mem>>
      %dma_start3A_72 = tpu.memref_slice %arg3[%add3A_53] : memref<320000xi32, #tpu.memory_space<hbm>> -> memref<16xi32, #tpu.memory_space<hbm>>
      %dma_start3A_73 = tpu.memref_slice %arg3[%add3A_53] : memref<320000xi32, #tpu.memory_space<hbm>> -> memref<16xi32, #tpu.memory_space<hbm>>
      tpu.enqueue_dma source(%dma_start3A_73 : memref<16xi32, #tpu.memory_space<hbm>>) target(%arg10 : memref<16xi32, #tpu.memory_space<vmem>>) target_semaphore(%run_scoped3A : memref<!tpu.dma_semaphore, #tpu.memory_space<semaphore_mem>>)
      %dma_wait3A_74 = tpu.memref_slice %arg3[%add3A_53] : memref<320000xi32, #tpu.memory_space<hbm>> -> memref<16xi32, #tpu.memory_space<hbm>>
      %dma_wait3A_75 = tpu.memref_slice %arg3[%add3A_53] : memref<320000xi32, #tpu.memory_space<hbm>> -> memref<16xi32, #tpu.memory_space<hbm>>
      tpu.wait_dma2 semaphore(%run_scoped3A : memref<!tpu.dma_semaphore, #tpu.memory_space<semaphore_mem>>) src(%dma_wait3A_75 : memref<16xi32, #tpu.memory_space<hbm>>) dst(%arg10 : memref<16xi32, #tpu.memory_space<vmem>>)
      tpu.yield
    }) : () -> ()
    "tpu.region"() ({
      %run_scoped3A = tpu.sem_alloc : memref<!tpu.dma_semaphore, #tpu.memory_space<semaphore_mem>>
      %dma_start3A_72 = arith.constant 0 : i32
      %dma_start3A_73 = tpu.memref_slice %arg2[%add3A_53, %dma_start3A_72] : memref<320000x128xf32, #tpu.memory_space<hbm>> -> memref<16x128xf32, #tpu.memory_space<hbm>>
      %dma_start3A_74 = arith.constant 0 : i32
      %dma_start3A_75 = tpu.memref_slice %arg2[%add3A_53, %dma_start3A_74] : memref<320000x128xf32, #tpu.memory_space<hbm>> -> memref<16x128xf32, #tpu.memory_space<hbm>>
      tpu.enqueue_dma source(%dma_start3A_75 : memref<16x128xf32, #tpu.memory_space<hbm>>) target(%arg11 : memref<16x128xf32, #tpu.memory_space<vmem>>) target_semaphore(%run_scoped3A : memref<!tpu.dma_semaphore, #tpu.memory_space<semaphore_mem>>)
      %dma_wait3A_76 = arith.constant 0 : i32
      %dma_wait3A_77 = tpu.memref_slice %arg2[%add3A_53, %dma_wait3A_76] : memref<320000x128xf32, #tpu.memory_space<hbm>> -> memref<16x128xf32, #tpu.memory_space<hbm>>
      %dma_wait3A_78 = arith.constant 0 : i32
      %dma_wait3A_79 = tpu.memref_slice %arg2[%add3A_53, %dma_wait3A_78] : memref<320000x128xf32, #tpu.memory_space<hbm>> -> memref<16x128xf32, #tpu.memory_space<hbm>>
      tpu.wait_dma2 semaphore(%run_scoped3A : memref<!tpu.dma_semaphore, #tpu.memory_space<semaphore_mem>>) src(%dma_wait3A_79 : memref<16x128xf32, #tpu.memory_space<hbm>>) dst(%arg11 : memref<16x128xf32, #tpu.memory_space<vmem>>)
      tpu.yield
    }) : () -> ()
    "tpu.region"() ({
      %run_scoped3A = tpu.sem_alloc : memref<!tpu.dma_semaphore, #tpu.memory_space<semaphore_mem>>
      %dma_start3A_72 = arith.constant 0 : i32
      %dma_start3A_73 = arith.constant 0 : i32
      %dma_start3A_74 = tpu.memref_slice %arg19[%dma_start3A_72, %dma_start3A_73] : memref<10240x128xf32, #tpu.memory_space<vmem_shared>> -> memref<10240x128xf32, #tpu.memory_space<vmem_shared>>
      tpu.enqueue_indirect_dma source(%arg11 : memref<16x128xf32, #tpu.memory_space<vmem>>) target(%dma_start3A_74 : memref<10240x128xf32, #tpu.memory_space<vmem_shared>>) offsets(%arg10 : memref<16xi32, #tpu.memory_space<vmem>>) semaphore(%run_scoped3A : memref<!tpu.dma_semaphore, #tpu.memory_space<semaphore_mem>>) {add = true}
      %dma_wait3A_75 = arith.constant 0 : i32
      %dma_wait3A_76 = arith.constant 0 : i32
      %dma_wait3A_77 = tpu.memref_slice %arg19[%dma_wait3A_75, %dma_wait3A_76] : memref<10240x128xf32, #tpu.memory_space<vmem_shared>> -> memref<10240x128xf32, #tpu.memory_space<vmem_shared>>
      tpu.wait_indirect_dma semaphore(%run_scoped3A : memref<!tpu.dma_semaphore, #tpu.memory_space<semaphore_mem>>) src(%arg11 : memref<16x128xf32, #tpu.memory_space<vmem>>) dst(%dma_wait3A_77 : memref<10240x128xf32, #tpu.memory_space<vmem_shared>>)
      tpu.yield
    }) : () -> ()
    %get3A = arith.constant 0 : index
    %get3A_54 = tpu.vector_load %arg10[%get3A] {strides = array<i32>} : memref<16xi32, #tpu.memory_space<vmem>>, vector<16xi32>,
    %gather3A_55 = tpu.vector_load_idx %arg10[%max3A_8] : memref<16xi32, #tpu.memory_space<vmem>>[vector<16xi32>], vector<16xi32>,
    %select_n3A = arith.select %eq3A_10, %scan3A_48, %gather3A_55 : vector<16xi1>, vector<16xi32>
    %ne3A = arith.cmpi ne, %get3A_54, %select_n3A : vector<16xi32>
    %add3A_56 = arith.constant 9984 : i32
    %add3A_57 = vector.broadcast %add3A_56 : i32 to vector<16xi32>
    %add3A_58 = arith.addi %add3A_57, %iota3A : vector<16xi32>
    %convert_element_type3A = arith.sitofp %add3A_58 : vector<16xi32> to vector<16xf32>
    %neg3A = arith.constant 0.000000e+00 : f32
    %neg3A_59 = vector.broadcast %neg3A : f32 to vector<16xf32>
    %neg3A_60 = arith.subf %neg3A_59, %convert_element_type3A : vector<16xf32>
    tpu.vector_store_idx %arg12[%get3A_54], %neg3A_60 masked %ne3A {add = true} : memref<10240xf32, #tpu.memory_space<vmem>>[vector<16xi32>], vector<16xf32>, vector<16xi1>
    tpu.vector_store_idx %arg12[%select_n3A], %convert_element_type3A masked %ne3A {add = true} : memref<10240xf32, #tpu.memory_space<vmem>>[vector<16xi32>], vector<16xf32>, vector<16xi1>
    %broadcast_in_dim3A_61 = arith.constant 15 : i32
    %broadcast_in_dim3A_62 = vector.broadcast %broadcast_in_dim3A_61 : i32 to vector<16xi32>
    %gather3A_63 = tpu.vector_load_idx %arg10[%broadcast_in_dim3A_62] : memref<16xi32, #tpu.memory_space<vmem>>[vector<16xi32>], vector<16xi32>,
    %broadcast_in_dim3A_64 = arith.constant 1.000000e+04 : f32
    %broadcast_in_dim3A_65 = vector.broadcast %broadcast_in_dim3A_64 : f32 to vector<16xf32>
    tpu.vector_store_idx %arg12[%gather3A_63], %broadcast_in_dim3A_65 masked %eq3A_10 {add = true} : memref<10240xf32, #tpu.memory_space<vmem>>[vector<16xi32>], vector<16xf32>, vector<16xi1>
    %mul3A_66 = arith.constant 10240 : i32
    %mul3A_67 = arith.muli %add3A, %mul3A_66 : i32
    "tpu.region"() ({
      %run_scoped3A = tpu.sem_alloc : memref<!tpu.dma_semaphore, #tpu.memory_space<semaphore_mem>>
      %dma_start3A_72 = tpu.memref_slice %arg5[%mul3A_67] : memref<327680xf32, #tpu.memory_space<hbm>> -> memref<10240xf32, #tpu.memory_space<hbm>>
      %dma_start3A_73 = tpu.memref_slice %arg5[%mul3A_67] : memref<327680xf32, #tpu.memory_space<hbm>> -> memref<10240xf32, #tpu.memory_space<hbm>>
      tpu.enqueue_dma source(%arg12 : memref<10240xf32, #tpu.memory_space<vmem>>) target(%dma_start3A_73 : memref<10240xf32, #tpu.memory_space<hbm>>) target_semaphore(%run_scoped3A : memref<!tpu.dma_semaphore, #tpu.memory_space<semaphore_mem>>)
      %dma_wait3A_74 = tpu.memref_slice %arg5[%mul3A_67] : memref<327680xf32, #tpu.memory_space<hbm>> -> memref<10240xf32, #tpu.memory_space<hbm>>
      %dma_wait3A_75 = tpu.memref_slice %arg5[%mul3A_67] : memref<327680xf32, #tpu.memory_space<hbm>> -> memref<10240xf32, #tpu.memory_space<hbm>>
      tpu.wait_dma2 semaphore(%run_scoped3A : memref<!tpu.dma_semaphore, #tpu.memory_space<semaphore_mem>>) src(%arg12 : memref<10240xf32, #tpu.memory_space<vmem>>) dst(%dma_wait3A_75 : memref<10240xf32, #tpu.memory_space<hbm>>)
      tpu.yield
    }) : () -> ()
    %barrier3A_68 = arith.constant 0 : index
    tpu.barrier barrier_id(%barrier3A_68)
    %mul3A_69 = arith.constant 10240 : i32
    %mul3A_70 = arith.muli %arg0, %mul3A_69 : i32
    %add3A_71 = arith.addi %mul3A_70, %mul3A_2 : i32
    "tpu.region"() ({
      %run_scoped3A = tpu.sem_alloc : memref<!tpu.dma_semaphore, #tpu.memory_space<semaphore_mem>>
      %dma_start3A_72 = arith.constant 0 : i32
      %dma_start3A_73 = tpu.memref_slice %arg4[%add3A_71, %dma_start3A_72] : memref<20480x128xf32, #tpu.memory_space<hbm>> -> memref<640x128xf32, #tpu.memory_space<hbm>>
      %dma_start3A_74 = arith.constant 0 : i32
      %dma_start3A_75 = tpu.memref_slice %arg19[%mul3A_2, %dma_start3A_74] : memref<10240x128xf32, #tpu.memory_space<vmem_shared>> -> memref<640x128xf32, #tpu.memory_space<vmem_shared>>
      tpu.enqueue_dma source(%dma_start3A_75 : memref<640x128xf32, #tpu.memory_space<vmem_shared>>) target(%dma_start3A_73 : memref<640x128xf32, #tpu.memory_space<hbm>>) target_semaphore(%run_scoped3A : memref<!tpu.dma_semaphore, #tpu.memory_space<semaphore_mem>>)
      %dma_wait3A_76 = arith.constant 0 : i32
      %dma_wait3A_77 = tpu.memref_slice %arg4[%add3A_71, %dma_wait3A_76] : memref<20480x128xf32, #tpu.memory_space<hbm>> -> memref<640x128xf32, #tpu.memory_space<hbm>>
      %dma_wait3A_78 = arith.constant 0 : i32
      %dma_wait3A_79 = tpu.memref_slice %arg19[%mul3A_2, %dma_wait3A_78] : memref<10240x128xf32, #tpu.memory_space<vmem_shared>> -> memref<640x128xf32, #tpu.memory_space<vmem_shared>>
      tpu.wait_dma2 semaphore(%run_scoped3A : memref<!tpu.dma_semaphore, #tpu.memory_space<semaphore_mem>>) src(%dma_wait3A_79 : memref<640x128xf32, #tpu.memory_space<vmem_shared>>) dst(%dma_wait3A_77 : memref<640x128xf32, #tpu.memory_space<hbm>>)
      tpu.yield
    }) : () -> ()
    return
  }
}

module attributes {stable_mosaic.version = 14 : i64} {
  func.func @_combine_body(%arg0: i32, %arg1: memref<2x1024x128xf32, #tpu.memory_space<vmem>>, %arg2: memref<32x1024xf32, #tpu.memory_space<vmem>>, %arg3: memref<1024x128xf32, #tpu.memory_space<vmem>>) attributes {dimension_semantics = [#tpu.dimension_semantics<arbitrary>], iteration_bounds = array<i64: 10>, scalar_prefetch = 0 : i64, scratch_operands = 0 : i64, tpu.core_type = #tpu.core_type<tc>, window_params = [{transform_indices = @transform_0, window_bounds = array<i64: 2, 1024, 128>}, {transform_indices = @transform_1, window_bounds = array<i64: 32, 1024>}, {transform_indices = @transform_2, window_bounds = array<i64: 1024, 128>}]} {
    %get3A = arith.constant 0 : index
    %get3A_0 = arith.constant 0 : index
    %get3A_1 = arith.constant 0 : index
    %get3A_2 = vector.load %arg1[%get3A, %get3A_0, %get3A_1] : memref<2x1024x128xf32, #tpu.memory_space<vmem>>, vector<1x1024x128xf32>
    %get3A_3 = vector.shape_cast %get3A_2 : vector<1x1024x128xf32> to vector<1024x128xf32>
    %get3A_4 = arith.constant 1 : index
    %get3A_5 = arith.constant 0 : index
    %get3A_6 = arith.constant 0 : index
    %get3A_7 = vector.load %arg1[%get3A_4, %get3A_5, %get3A_6] : memref<2x1024x128xf32, #tpu.memory_space<vmem>>, vector<1x1024x128xf32>
    %get3A_8 = vector.shape_cast %get3A_7 : vector<1x1024x128xf32> to vector<1024x128xf32>
    %add3A = arith.addf %get3A_3, %get3A_8 : vector<1024x128xf32>
    %get3A_9 = arith.constant 0 : index
    %get3A_10 = arith.constant 0 : index
    %get3A_11 = vector.load %arg2[%get3A_9, %get3A_10] : memref<32x1024xf32, #tpu.memory_space<vmem>>, vector<32x1024xf32>
    %reduce_sum3A = arith.constant dense<0.000000e+00> : vector<1024xf32>
    %reduce_sum3A_12 = vector.multi_reduction <add>, %get3A_11, %reduce_sum3A [0] : vector<32x1024xf32> to vector<1024xf32>
    %max3A = arith.constant 1.000000e+00 : f32
    %max3A_13 = vector.broadcast %max3A : f32 to vector<1024xf32>
    %max3A_14 = arith.maximumf %reduce_sum3A_12, %max3A_13 : vector<1024xf32>
    %broadcast_in_dim3A = vector.shape_cast %max3A_14 : vector<1024xf32> to vector<1024x1xf32>
    %div3A = vector.broadcast %broadcast_in_dim3A : vector<1024x1xf32> to vector<1024x128xf32>
    %div3A_15 = arith.divf %add3A, %div3A : vector<1024x128xf32>
    %swap3A = arith.constant 0 : index
    %swap3A_16 = arith.constant 0 : index
    %swap3A_17 = vector.load %arg3[%swap3A, %swap3A_16] : memref<1024x128xf32, #tpu.memory_space<vmem>>, vector<1024x128xf32>
    tpu.vector_store %arg3[%swap3A, %swap3A_16], %div3A_15 {strides = array<i32>} : memref<1024x128xf32, #tpu.memory_space<vmem>>, vector<1024x128xf32>,
    return
  }
  func.func @transform_0(%arg0: i32) -> (i32, i32, i32) {
    %c0_i32 = arith.constant 0 : i32
    %c0_i32_0 = arith.constant 0 : i32
    %c0_i32_1 = arith.constant 0 : i32
    return %c0_i32, %arg0, %c0_i32_0 : i32, i32, i32
  }
  func.func @transform_1(%arg0: i32) -> (i32, i32) {
    %c0_i32 = arith.constant 0 : i32
    %c0_i32_0 = arith.constant 0 : i32
    return %c0_i32, %arg0 : i32, i32
  }
  func.func @transform_2(%arg0: i32) -> (i32, i32) {
    %c0_i32 = arith.constant 0 : i32
    %c0_i32_0 = arith.constant 0 : i32
    return %arg0, %c0_i32 : i32, i32
  }
}

</mosaic_0001>

<sc_bundles>
// kernel: kernel.4.cloned.1.call-start
scs
__scs_entry_jumppad:
0x0: {  	(pc) =	sbr.rel $0x88, $3  }
0x1: {  	(tag) =	ssettag $0x0;
	lr =	simm.s32 $0x1  }
0x2: {  	[smem:$0x3F9F] =	sst lr;
	_ =	strace $0xD0000000  }
0x3: {  	_ = 	snop  }
0x4: {  	_ = 	snop  }
0x5: {  	_ = 	snop  }
0x6: {  	_ = 	snop  }
0x7: {  	_ = 	snop  }
__scs_overlays_trampoline_lowered:
0x8: {  	[smem:$0x3FAE] =	sst s0  }
0x9: {  	[smem:$0x3FAF] =	sst s1  }
0xa: {  	[smem:$0x3FB0] =	sst s2  }
0xb: {  	[smem:$0x3FB1] =	sst s3  }
0xc: {  	[smem:$0x3FB2] =	sst s4  }
0xd: {  	[smem:$0x3FB3] =	sst s5  }
0xe: {  	[smem:$0x3FB4] =	sst s6  }
0xf: {  	[smem:$0x3FB5] =	sst s7  }
0x10: {  	[smem:$0x3FB6] =	sst s8  }
0x11: {  	[smem:$0x3FB7] =	sst s9;
	s0 =	simm.s32 @!p0 $0x0  }
0x12: {  	s1 =	sld [smem:$0x3F9D];
	s0 =	simm.s32 @p0 $0x1  }
0x13: {  	[smem:$0x3FB8] =	sst s0;
	s0 =	simm.s32 @!p1 $0x0  }
0x14: {  	s2 =	sld [smem:$0x3F9C];
	s0 =	simm.s32 @p1 $0x1  }
0x15: {  	[smem:$0x3FB9] =	sst s0;
	s0 =	simm.s32 @!p2 $0x0  }
0x16: {  	s3 =	sld [smem:$0x3FDB];
	s0 =	simm.s32 @p2 $0x1  }
0x17: {  	s4 =	simm.s32 $0x1BF5;
	[smem:$0x3FBB] =	sst s0  }
0x18: {  	s0 =	sld [smem:$0x3F9E];
	_ =	swait.ge [sflag:s4], $0x0  }
0x19: {  	s7 =	sld [smem:$0x3F9F]  }
0x1a: {  	s8 =	sadd.s32 $0xFFFFE003, lr  }
0x1b: {  	s9 =	sadd.s32 $0xFFFFFEF7, lr;
	s5 =	simm.s32 $0xFFFFFFFF;
	p2 =	slt.u32 s8, $0xFFFFF086  }
0x1c: {  	p1 =	slt.u32 s9, $0xF7A;
	s5 =	simm.s32 @!p2 $0x0  }
0x1d: {  	s5 =	simm.s32 @p1 $0x1;
	p0 =	seq.s32 s7, s2  }
0x1e: {  	s7 =	smul.u32 @!p0 $0xF7A, s2;
	p2 =	seq.s32 @!p0 s5, $0x0  }
0x1f: {  	s9 =	smul.u32 $0xF7A, s1;
	s8 =	simm.s32 @!p0 $0x1BF5;
	p2 =	por !p2, p0  }
0x20: {  	[sflag:s8] =	ssyncset.s32 @!p0 $0xFFFFF086;
	s6 =	sadd.s32 @!p0 s3, s7;
	s7 =	simm.s32 @!p0 $0x108  }
0x21: {  	s3 =	sadd.s32 s3, s9;
	s6 =	sadd.s32 @!p0 $0x88, s6;
	s7 =	simm.s32 @p2 $0x1082  }
0x22: {  	[simem:s7], [sflag:s8] =	dma.local @!p0 [hbm:s6], $0xF7A  }
0x23: {  	s9 =	sor.u32 $0xD0000000, s2;
	s6 =	simm.s32 $0x108;
	_ =	swait.ge @!p0 [sflag:s8], $0x0  }
0x24: {  	s3 =	sadd.s32 $0x88, s3;
	s6 =	simm.s32 @!p1 $0x1082;
	[sflag:s4] =	ssyncset.s32 $0xFFFFF086  }
0x25: {  	[simem:s6], [sflag:s4] =	dma.local [hbm:s3], $0xF7A  }
0x26: {  	[smem:$0x3F9F] =	sst s1;
	(tag) =	ssettag s2;
	_ =	strace s9  }
0x27: {  	s1 =	sld [smem:$0x3FAF]  }
0x28: {  	s2 =	sld [smem:$0x3FB0]  }
0x29: {  	s4 =	sld [smem:$0x3FB2]  }
0x2a: {  	p0 =	seq.s32 s5, $0x0;
	s5 =	sld [smem:$0x3FB3]  }
0x2b: {  	s6 =	sld [smem:$0x3FB4]  }
0x2c: {  	s7 =	sld [smem:$0x3FB5]  }
0x2d: {  	s3 =	simm.s32 $0x108;
	s8 =	sld [smem:$0x3FB6]  }
0x2e: {  	s3 =	simm.s32 @!p0 $0x1082;
	s9 =	sld [smem:$0x3FB7]  }
0x2f: {  	lr =	sadd.s32 s0, s3;
	s0 =	sld [smem:$0x3FAE]  }
0x30: {  	s3 =	sld [smem:$0x3FB1]  }
0x31: {  	[smem:$0x3FBA] =	sst s10  }
0x32: {  	s10 =	sld [smem:$0x3FB8];
	_ =	sdelay $0x3  }
0x33: {  	p0 =	seq.s32 s10, $0x1;
	s10 =	sld [smem:$0x3FBA];
	_ =	sdelay $0x3  }
0x34: {  	[smem:$0x3FBA] =	sst s10  }
0x35: {  	s10 =	sld [smem:$0x3FB9];
	_ =	sdelay $0x3  }
0x36: {  	p1 =	seq.s32 s10, $0x1;
	s10 =	sld [smem:$0x3FBA];
	_ =	sdelay $0x3  }
0x37: {  	[smem:$0x3FBA] =	sst s10  }
0x38: {  	s10 =	sld [smem:$0x3FBB]  }
0x39: {  	_ = 	snop;
	(pc) =	sbr.ind lr, $3  }
0x3a: {  	_ = 	snop  }
0x3b: {  	_ = 	snop  }
0x3c: {  	p2 =	seq.s32 s10, $0x1;
	s10 =	sld [smem:$0x3FBA]  }
0x3d: {  	_ =	shalt  }
0x3e: {  	_ =	shalt  }
0x3f: {  	_ =	shalt  }
0x40: {  	_ =	shalt  }
0x41: {  	_ =	shalt  }
0x42: {  	_ =	shalt  }
0x43: {  	_ =	shalt  }
0x44: {  	_ =	shalt  }
0x45: {  	_ =	shalt  }
0x46: {  	_ =	shalt  }
0x47: {  	_ =	shalt  }
0x48: {  	_ =	shalt  }
0x49: {  	_ =	shalt  }
0x4a: {  	_ =	shalt  }
0x4b: {  	_ =	shalt  }
0x4c: {  	_ =	shalt  }
0x4d: {  	_ =	shalt  }
0x4e: {  	_ =	shalt  }
0x4f: {  	_ =	shalt  }
0x50: {  	_ =	shalt  }
0x51: {  	_ =	shalt  }
0x52: {  	_ =	shalt  }
0x53: {  	_ =	shalt  }
0x54: {  	_ =	shalt  }
0x55: {  	_ =	shalt  }
0x56: {  	_ =	shalt  }
0x57: {  	_ =	shalt  }
0x58: {  	_ =	shalt  }
0x59: {  	_ =	shalt  }
0x5a: {  	_ =	shalt  }
0x5b: {  	_ =	shalt  }
0x5c: {  	_ =	shalt  }
0x5d: {  	_ =	shalt  }
0x5e: {  	_ =	shalt  }
0x5f: {  	_ =	shalt  }
0x60: {  	_ =	shalt  }
0x61: {  	_ =	shalt  }
0x62: {  	_ =	shalt  }
0x63: {  	_ =	shalt  }
0x64: {  	_ =	shalt  }
0x65: {  	_ =	shalt  }
0x66: {  	_ =	shalt  }
0x67: {  	_ =	shalt  }
0x68: {  	_ =	shalt  }
0x69: {  	_ =	shalt  }
0x6a: {  	_ =	shalt  }
0x6b: {  	_ =	shalt  }
0x6c: {  	_ =	shalt  }
0x6d: {  	_ =	shalt  }
0x6e: {  	_ =	shalt  }
0x6f: {  	_ =	shalt  }
0x70: {  	_ =	shalt  }
0x71: {  	_ =	shalt  }
0x72: {  	_ =	shalt  }
0x73: {  	_ =	shalt  }
0x74: {  	_ =	shalt  }
0x75: {  	_ =	shalt  }
0x76: {  	_ =	shalt  }
0x77: {  	_ =	shalt  }
0x78: {  	_ =	shalt  }
0x79: {  	_ =	shalt  }
0x7a: {  	_ =	shalt  }
0x7b: {  	_ =	shalt  }
0x7c: {  	_ =	shalt  }
0x7d: {  	_ =	shalt  }
0x7e: {  	_ =	shalt  }
0x7f: {  	_ =	shalt  }
0x80: {  	_ =	shalt  }
0x81: {  	_ =	shalt  }
0x82: {  	_ =	shalt  }
0x83: {  	_ =	shalt  }
0x84: {  	_ =	shalt  }
0x85: {  	_ =	shalt  }
0x86: {  	_ =	shalt  }
0x87: {  	_ =	shalt  }
.Lfunc_end0:
.L_simem_size_0:
called_computation_lowered:
.L_overlay_start_0:
0x88: {  	s2 =	sld [smem:$0x3FD9]  }
0x89: {  	s3 =	sld [smem:$0x3FFE];
	_ =	sdelay $0x1  }
0x8a: {  	s1 =	srdreg.scid  }
0x8b: {  	s0 =	sand.u32 $0x1, s1  }
0x8c: {  	s17 =	sshll.u32 s0, $0xA;
	s2 =	sadd.s32 s3, s2  }
0x8d: {  	s2 =	sadd.s32 s2, s17  }
0x8e: {  	[smem:$0x3FC6] =	sst s2  }
0x8f: {  	_ = 	snop  }
0x90: {  	s2 =	sld [smem:$0x3FC9]  }
0x91: {  	s18 =	sld [smem:$0x3FC8]  }
0x92: {  	s4 =	sld [smem:$0x3FD0];
	(tm) =	ssettm $0x1  }
0x93: {  	s5 =	sld [smem:$0x3FFB];
	_ =	sdelay $0x3  }
0x94: {  	_ =	strace s5  }
0x95: {  	s5 =	sld [smem:$0x3FFC];
	_ =	sdelay $0x3  }
0x96: {  	_ =	strace s5  }
0x97: {  	s5 =	sld [smem:$0x3FFD];
	_ =	sdelay $0x3  }
0x98: {  	_ =	strace s5  }
0x99: {  	_ =	strace $0x8FFFFFFF  }
0x9a: {  	s19 =	sld [smem:$0x3FDB];
	_ =	sdelay $0x1  }
0x9b: {  	s6 =	simm.s32 $_scs_section_size  }
0x9c: {  	s7 =	simm.s32 $_size__tile_overlayer_lowered;
	s8 =	simm.s32 $_tile_overlayer_lowered  }
0x9d: {  	s22 =	simm.s32 $0x1BFF;
	s21 =	sshll.u32 s8, $0x1;
	s5 =	sadd.s32 s6, s19  }
0x9e: {  	s9 =	simm.s32 $0x0;
	s20 =	sshll.u32 s7, $0x1;
	s7 =	sadd.s32 s21, s5  }
0x9f: {  	[timem:s9], [sflag:s22] =	dma.local [hbm:s7], s20  }
0xa0: {  	_ =	swait.ge [sflag:s22], s20  }
0xa1: {  	s6 =	ssub.s32 $0x0, s20;
	[sflag:s22] =	ssyncset.done $0x0  }
0xa2: {  	[sflag:s22] =	ssyncadd.s32 s6;
	_ =	sdelay $0x1  }
0xa3: {  	s23 =	simm.s32 $0x1B8B  }
0xa4: {  	_ =	swait.ge [sflag:s23], $0x1  }
0xa5: {  	[sflag:s23] =	ssyncset.done $0x0  }
0xa6: {  	s25 =	simm.s32 $0x1B8E;
	s24 =	sld [smem:$0x3FFE];
	[sflag:s23] =	ssyncadd.s32 $0xFFFFFFFF  }
0xa7: {  	s26 =	simm.s32 $execute0_lowered;
	[smem:$0x3FD2] =	sst s25  }
0xa8: {  	s7 =	sshll.u32 s26, $0x1;
	_ =	strace $0x80000046;
	[dreg:$0x1] =	wrdreg $0xFFFFFFFF  }
0xa9: {  	s28 =	simm.s32 $_size_execute0_lowered;
	s5 =	sadd.s32 s5, s7;
	[dreg:$0x0] =	wrdreg $0x0  }
0xaa: {  	s7 =	sshll.u32 s28, $0x1;
	[dreg:$0x2] =	wrdreg s5  }
0xab: {  	[dreg:$0x3] =	wrdreg s7  }
0xac: {  	[dreg:$0x4] =	wrdreg $0xC0  }
0xad: {  	_ =	task [dreg:s9], $0x5FFFF  }
0xae: {  	[dreg:$0x1] =	wrdreg $0xFFFFFFFF  }
0xaf: {  	[dreg:$0x0] =	wrdreg $0x60  }
0xb0: {  	[dreg:$0x2] =	wrdreg s2  }
0xb1: {  	[dreg:$0x3] =	wrdreg s18  }
0xb2: {  	[dreg:$0x4] =	wrdreg s24  }
0xb3: {  	[dreg:$0x5] =	wrdreg s4  }
0xb4: {  	[dreg:$0x6] =	wrdreg $0xB1800  }
0xb5: {  	[dreg:$0x7] =	wrdreg $0x9  }
0xb6: {  	_ =	task.clear_ibuf [dreg:s9], $0x8FFFF;
	_ =	strace $0x90000046  }
0xb7: {  	s29 =	simm.s32 $0x9;
	_ =	strace $0x80000048  }
0xb8: {  	_ =	swait.ge [sflag:s29], $0x1  }
0xb9: {  	[sflag:s29] =	ssyncadd.s32 $0xFFFFFFFF  }
0xba: {  	_ =	strace $0x90000048  }
0xbb: {  	_ =	sfence  }
0xbc: {  	s30 =	sld [smem:$0x0];
	_ =	sdelay $0x2  }
0xbd: {  	s31 =	sshll.u32 s1, $0xD;
	s1 =	sshrl.u32 s1, $0x2  }
0xbe: {  	s3 =	sand.u32 $0x4000, s31;
	s1 =	sadd.s32 s1, s30  }
0xbf: {  	s0 =	sor.u32 s3, s0;
	s1 =	sshll.u32 s1, $0x11  }
0xc0: {  	s0 =	sor.u32 s1, s0  }
0xc1: {  	s0 =	sadd.s32 $0x8F2B, s0  }
0xc2: {  	[sflag:s0] =	ssyncadd.remote.s32 $0x1  }
0xc3: {  	_ =	sfence.sel $0xFFFF  }
0xc4: {  	[dreg:$0x0] =	wrdreg $0xFFFFFFFF;
	(pc) =	sbr.abs _section_cstart, $3  }
0xc5: {  	[dreg:$0x1] =	wrdreg $0xFFFFFFFF  }
0xc6: {  	_ =	task.clear_ibuf [dreg:s9], $0x2FFFF;
	_ =	strace $0x9FFFFFFF  }
0xc7: {  	(tm) =	ssettm $0x7FFFFFFF  }
tec
execute0_lowered:
.L_overlay_start_1:
0x0: {  	(tag) =	ssettag $0x1  }
0x1: {  	s1 =	rddreg [dreg:$0x0]  }
0x2: {  	s0 =	rddreg [dreg:$0x1]  }
0x3: {  	s6 =	rddreg [dreg:$0x2]  }
0x4: {  	s2 =	rddreg [dreg:$0x3]  }
0x5: {  	s3 =	rddreg [dreg:$0x4]  }
0x6: {  	s17 =	stileid.u32;
	s5 =	srdreg.scid  }
0x7: {  	s4 =	simm.s32 $0x0;
	s28 =	simm.s32 $0x4100;
	s7 =	smul.u32 $0x2800, s17  }
0x8: {  	v0 =	vimm.s32 $0xEDCBA987;
	s29 =	simm.s32 $0x2;
	s30 =	simm.s32 $0x4;
	s25 =	smul.u32 $0x50000, s17  }
0x9: {  	v1 =	vimm.s32 $0x65432100;
	vm0 =	vmmov $0x1;
	v3 =	vimm.f32 $-9.999000000e+03;
	s31 =	simm.s32 $0x5;
	s8 =	sand.u32 $0x1, s5;
	s23 =	smul.u32 $0x27100, s17  }
0xa: {  	vm1 =	vcmask $0x300;
	vm2 =	vcmask $0x704;
	v4 =	vimm.f32 $9.999000000e+03;
	[smem:$0x7FF] =	sst s4;
	s9 =	smul.u32 $0x28000, s8;
	s10 =	sshll.u32 s8, $0x4  }
0xb: {  	vm3 =	vcmask $0xB08;
	v7 =	vimm.f32 $1.000000000e+04;
	v0 =	vunpack.c.l.s4.s8 v0;
	_ =	strace $0x80000047;
	s16 =	ssub.s32 $0x2, s8;
	s11 =	sor.u32 s17, s10  }
0xc: {  	v1 =	vunpack.c.l.s4.s8 v1;
	v3 =	vsel vm1, $0xC61C0000, v3;
	v4 =	vsel vm1, $0x461C0000, v4;
	s5 =	sshrl.u32 s25, $0x2;
	s20 =	sshrl.u32 s16, $0x1;
	s26 =	smul.u32 $0x2710, s11  }
0xd: {  	vm1 =	vcmask $0xF0C;
	v3 =	vsel vm2, $0xC61C0400, v3;
	v4 =	vsel vm2, $0x461C0400, v4;
	s7 =	sadd.s32 s7, s9;
	s5 =	sadd.s32 s5, s3;
	s13 =	smul.u32 $0x27100, s11  }
0xe: {  	vm2 =	vcmask $0x1310;
	v0 =	vunpack.c.0.s8.s32 v0;
	v3 =	vsel vm3, $0xC61C0800, v3;
	s6 =	sadd.s32 s7, s6;
	s14 =	sadd.s32 $0x4000, s5;
	s15 =	sadd.s32 $0x8000, s5  }
0xf: {  	v1 =	vunpack.c.0.s8.s32 v1;
	v4 =	vsel vm3, $0x461C0800, v4;
	v3 =	vsel vm1, $0xC61C0C00, v3;
	s18 =	sadd.s32 $0xC000, s5;
	s19 =	sadd.s32 $0x10000, s5;
	[dreg:$0x6] =	wrdreg s14  }
0x10: {  	vm3 =	vcmask $0x1714;
	v4 =	vsel vm1, $0x461C0C00, v4;
	vm1 =	vcmask $0x1B18;
	s7 =	ssub.s32 s16, s20;
	s16 =	smul.u32 $0x2710, s17;
	[dreg:$0x7] =	wrdreg s15  }
0x11: {  	v2 =	vand.u32 $0xF, v0;
	v0 =	vimm.f32 $0.0e+00;
	v3 =	vsel vm2, $0xC61C1000, v3;
	s20 =	simm.s32 $0x100;
	[dreg:$0x8] =	wrdreg s18;
	s14 =	smul.u32 $0x500, s11  }
0x12: {  	v4 =	vsel vm2, $0x461C1000, v4;
	vm2 =	vcmask $0x1F1C;
	[dreg:$0x9] =	wrdreg s19;
	s12 =	sshrl.u32 s26, $0x3;
	s15 =	smul.u32 $0x27100, s8;
	v3 =	vsel vm3, $0xC61C1400, v3  }
0x13: {  	v1 =	vcombine.low v1, v2;
	s21 =	sadd.s32 s1, s13;
	s9 =	sadd.s32 $0x2700, s26;
	s8 =	smul.u32 $0x271000, s8;
	v4 =	vsel vm3, $0x461C1400, v4;
	v3 =	vsel vm1, $0xC61C1800, v3  }
0x14: {  	vm3 =	vcmask $0x2320;
	s10 =	sadd.s32 s0, s12;
	[dreg:$0xa] =	wrdreg s21;
	s22 =	sshrl.u32 s9, $0x3;
	v4 =	vsel vm1, $0x461C1800, v4;
	v3 =	vsel vm2, $0xC61C1C00, v3  }
0x15: {  	s9 =	sshll.u32 s9, $0x4;
	vm1 =	vcmask $0x2724;
	s21 =	simm.s32 $0x7;
	s12 =	sadd.s32 s0, s22;
	v4 =	vsel vm2, $0x461C1C00, v4;
	v3 =	vsel vm3, $0xC61C2000, v3  }
0x16: {  	s24 =	sadd.s32 s16, s15;
	s15 =	sadd.s32 $0xA00, s6;
	vm2 =	vcmask $0x2B28;
	s22 =	simm.s32 $0x8100;
	v4 =	vsel vm3, $0x461C2000, v4;
	v3 =	vsel vm1, $0xC61C2400, v3  }
0x17: {  	s13 =	sadd.s32 s1, s9;
	s14 =	sadd.s32 s2, s14;
	s2 =	simm.s32 $0x8180;
	vm3 =	vcmask $0x2F2C;
	v4 =	vsel vm1, $0x461C2400, v4;
	v3 =	vsel vm2, $0xC61C2800, v3  }
.Ltmp0:
0x18: {  	s1 =	sadd.s32 s8, s1;
	s16 =	smax.u32 s7, $0x1;
	vm1 =	vcmask $0x3330;
	v4 =	vsel vm2, $0x461C2800, v4;
	v3 =	vsel vm3, $0xC61C2C00, v3;
	(pc) =	sbr.rel .LBB2_1-.Ltmp0, $4  }
0x19: {  	s6 =	simm.s32 $0x0;
	s25 =	sadd.s32 $0x80, s24;
	s1 =	sadd.s32 s23, s1;
	vm2 =	vcmask $0x3734;
	v4 =	vsel vm3, $0x461C2C00, v4;
	v3 =	vsel vm1, $0xC61C3000, v3  }
0x1a: {  	s18 =	sadd.s32 $0x100, s24;
	s23 =	simm.s32 $0x1;
	s24 =	simm.s32 $0x3;
	vm3 =	vcmask $0x3B38;
	v6 =	vsel vm1, $0x461C3000, v4;
	v5 =	vsel vm2, $0xC61C3400, v3  }
0x1b: {  	v2 =	vlaneseq.u32;
	s26 =	sshrl.u32 s25, $0x3;
	s9 =	sadd.s32 $0x1000, s1;
	s25 =	simm.s32 $0x80;
	v4 =	vsel vm3, $0xC61C3800, v5;
	v5 =	vsel vm2, $0x461C3400, v6  }
0x1c: {  	s1 =	simm.s32 $0x6;
	s8 =	sadd.s32 s26, s0;
	s26 =	simm.s32 $0x8980;
	v3 =	vimm.s32 $0x7F;
	v6 =	vimm.s32 $0xF;
	v5 =	vsel vm3, $0x461C3800, v5  }
.LBB2_8:
0x1d: {  	_ =	swait.ge [sflag:s1], $0x4000  }
0x1e: {  	[sflag:s1] =	ssyncset.done $0x0  }
0x1f: {  	[sflag:s1] =	ssyncadd.s32 $0xFFFFC000  }
0x20: {  	[tilespmem:s22], [sflag:$0x7] =	stream.linear.gather [hbm4b:s12+s4], $0x10, $0x38;
	[tilespmem:$0x1F180] =	vst v63  }
0x21: {  	_ =	swait.ge [sflag:s21], $0x10  }
0x22: {  	[sflag:s21] =	ssyncset.done $0x0  }
0x23: {  	[sflag:s21] =	ssyncadd.s32 $0xFFFFFFF0  }
0x24: {  	[tilespmem:s2], [sflag:$0x7] =	stream.linear.gather [hbm4b:s13+s4], $0x800, $0x38;
	[tilespmem:$0x1F180] =	vst v63  }
0x25: {  	_ =	swait.ge [sflag:s21], $0x800  }
0x26: {  	[sflag:s21] =	ssyncset.done $0x0  }
0x27: {  	s7 =	simm.s32 $0x10;
	[sflag:s21] =	ssyncadd.s32 $0xFFFFF800  }
0x28: {  	[spmem:s3] =	stream.indirect.scatter.add.f32 [tilespmem:s2], [sflag:$0x7], $0x80, s22, s7, $0xb8;
	[tilespmem:$0x1F180] =	vst v63  }
0x29: {  	_ =	swait.ge [sflag:s21], $0x800  }
0x2a: {  	[sflag:s21] =	ssyncset.done $0x0  }
0x2b: {  	[sflag:s21] =	ssyncadd.s32 $0xFFFFF800  }
0x2c: {  	v9 =	vld.idx.msk [tilespmem:v1+s22+$0x0], $0xffff  }
0x2d: {  	v10 =	vld [tilespmem:$0x8100];
	_ =	sdelay $0x3  }
0x2e: {  	v8 =	vsel vm0, v8, v9  }
0x2f: {  	vm1 =	vne.s32 v10, v8;
	_ =	sdelay $0x5  }
0x30: {  	[tilespmem:v10+s26+$0x0] =	vst.idx.add.f32.msk vm1, v4  }
0x31: {  	[tilespmem:v8+s26+$0x0] =	vst.idx.add.f32.msk vm1, v5  }
0x32: {  	v8 =	vld.idx.msk [tilespmem:v6+s22+$0x0], $0xffff;
	_ =	sdelay $0x7  }
0x33: {  	[tilespmem:v8+s26+$0x0] =	vst.idx.add.f32.msk $0x1, v7  }
0x34: {  	[hbm4b:s14+s4] =	stream.linear.scatter [tilespmem:s26], [sflag:$0x7], $0x2800, $0x38;
	[tilespmem:$0x1F180] =	vst v63  }
0x35: {  	s19 =	stileid.u32;
	_ =	swait.ge [sflag:s21], $0x2800  }
0x36: {  	s11 =	sshrl.u32 s5, $0x3;
	s6 =	sadd.s32 $0x1, s6;
	[sflag:s21] =	ssyncset.done $0x0  }
0x37: {  	p0 =	sne.s32 s6, s16;
	s7 =	sshll.u32 s19, $0x6;
	[sflag:s21] =	ssyncadd.s32 $0xFFFFD800  }
.Ltmp1:
0x38: {  	s7 =	sor.u32 $0x1C07, s7;
	[bflag:$0x0] =	sbarrier.arrive $0xFFFF;
	(pc) =	sbr.rel @!p0 .LBB2_9-.Ltmp1, $4  }
0x39: {  	[hbm:s15], [sflag:s7] =	dma.local [spmem:s11], $0x2800  }
0x3a: {  	_ =	swait.ge [sflag:s21], $0x2800  }
0x3b: {  	[sflag:s21] =	ssyncset.done $0x0  }
0x3c: {  	[sflag:s21] =	ssyncadd.s32 $0xFFFFD800  }
.LBB2_1:
0x3d: {  	s7 =	simm.s32 $0x0;
	s17 =	simm.s32 $0x200  }
.LBB2_2:
0x3e: {  	p0 =	sne.s32 s17, $0xFE00;
	[tilespmem:s7+$0x170] =	vst v0  }
0x3f: {  	[tilespmem:s7+$0x100] =	vst v0  }
0x40: {  	[tilespmem:s7+$0x110] =	vst v0  }
.Ltmp2:
0x41: {  	[tilespmem:s7+$0x120] =	vst v0;
	(pc) =	sbr.rel @p0 .LBB2_2-.Ltmp2, $4  }
0x42: {  	[tilespmem:s7+$0x130] =	vst v0  }
0x43: {  	[tilespmem:s7+$0x140] =	vst v0  }
0x44: {  	[tilespmem:s7+$0x150] =	vst v0  }
0x45: {  	[tilespmem:s7+$0x160] =	vst v0;
	s7 =	sshra.s32 s17, $0x2;
	s17 =	sadd.s32 $0x200, s17  }
0x46: {  	[tilespmem:s7+$0x170] =	vst v0  }
0x47: {  	[tilespmem:s7+$0x100] =	vst v0  }
0x48: {  	[tilespmem:s7+$0x110] =	vst v0  }
0x49: {  	[tilespmem:s7+$0x120] =	vst v0  }
0x4a: {  	[tilespmem:s7+$0x130] =	vst v0  }
0x4b: {  	[tilespmem:s7+$0x140] =	vst v0  }
0x4c: {  	[tilespmem:s7+$0x150] =	vst v0  }
0x4d: {  	[tilespmem:s7+$0x160] =	vst v0  }
0x4e: {  	[spmem:s5] =	stream.linear.scatter [tilespmem:s20], [sflag:$0x7], $0x4000, $0x38;
	[tilespmem:$0x1F180] =	vst v63  }
0x4f: {  	_ =	swait.ge [sflag:s21], $0x4000  }
0x50: {  	[sflag:s21] =	ssyncset.done $0x0  }
0x51: {  	s19 =	rddreg [dreg:$0x6];
	[sflag:s21] =	ssyncadd.s32 $0xFFFFC000  }
0x52: {  	[spmem:s19] =	stream.linear.scatter [tilespmem:s20], [sflag:$0x7], $0x4000, $0x38;
	[tilespmem:$0x1F180] =	vst v63  }
0x53: {  	_ =	swait.ge [sflag:s21], $0x4000  }
0x54: {  	[sflag:s21] =	ssyncset.done $0x0  }
0x55: {  	s11 =	rddreg [dreg:$0x7];
	[sflag:s21] =	ssyncadd.s32 $0xFFFFC000  }
0x56: {  	[spmem:s11] =	stream.linear.scatter [tilespmem:s20], [sflag:$0x7], $0x4000, $0x38;
	[tilespmem:$0x1F180] =	vst v63  }
0x57: {  	_ =	swait.ge [sflag:s21], $0x4000  }
0x58: {  	[sflag:s21] =	ssyncset.done $0x0  }
0x59: {  	s17 =	rddreg [dreg:$0x8];
	[sflag:s21] =	ssyncadd.s32 $0xFFFFC000  }
0x5a: {  	[spmem:s17] =	stream.linear.scatter [tilespmem:s20], [sflag:$0x7], $0x4000, $0x38;
	[tilespmem:$0x1F180] =	vst v63  }
0x5b: {  	_ =	swait.ge [sflag:s21], $0x4000  }
0x5c: {  	[sflag:s21] =	ssyncset.done $0x0  }
0x5d: {  	s19 =	rddreg [dreg:$0x9];
	[sflag:s21] =	ssyncadd.s32 $0xFFFFC000  }
0x5e: {  	[spmem:s19] =	stream.linear.scatter [tilespmem:s20], [sflag:$0x7], $0x4000, $0x38;
	[tilespmem:$0x1F180] =	vst v63  }
0x5f: {  	_ =	swait.ge [sflag:s21], $0x4000  }
0x60: {  	[sflag:s21] =	ssyncset.done $0x0  }
0x61: {  	s7 =	simm.s32 $0x0;
	s17 =	simm.s32 $0x200;
	[sflag:s21] =	ssyncadd.s32 $0xFFFFC000  }
.LBB2_4:
0x62: {  	p0 =	sne.s32 s17, $0x9E00;
	[tilespmem:s7+$0x89F0] =	vst v0  }
0x63: {  	[tilespmem:s7+$0x8980] =	vst v0  }
0x64: {  	[tilespmem:s7+$0x8990] =	vst v0  }
.Ltmp3:
0x65: {  	[tilespmem:s7+$0x89A0] =	vst v0;
	(pc) =	sbr.rel @p0 .LBB2_4-.Ltmp3, $4  }
0x66: {  	[tilespmem:s7+$0x89B0] =	vst v0  }
0x67: {  	[tilespmem:s7+$0x89C0] =	vst v0  }
0x68: {  	[tilespmem:s7+$0x89D0] =	vst v0  }
0x69: {  	[tilespmem:s7+$0x89E0] =	vst v0;
	s7 =	sshra.s32 s17, $0x2;
	s17 =	sadd.s32 $0x200, s17  }
0x6a: {  	[tilespmem:s7+$0x89F0] =	vst v0  }
0x6b: {  	[tilespmem:s7+$0x8980] =	vst v0  }
0x6c: {  	[tilespmem:s7+$0x8990] =	vst v0  }
0x6d: {  	[tilespmem:s7+$0x89A0] =	vst v0  }
0x6e: {  	[tilespmem:s7+$0x89B0] =	vst v0  }
0x6f: {  	[tilespmem:s7+$0x89C0] =	vst v0  }
0x70: {  	[tilespmem:s7+$0x89D0] =	vst v0  }
0x71: {  	[tilespmem:s7+$0x89E0] =	vst v0;
	s7 =	simm.s32 $0x0  }
0x72: {  	[tilespmem:s22], [sflag:$0x7] =	stream.linear.gather [hbm4b:s10+s7], $0x10, $0x38;
	[tilespmem:$0x1F180] =	vst v63  }
0x73: {  	_ =	swait.ge [sflag:s21], $0x10  }
0x74: {  	[sflag:s21] =	ssyncset.done $0x0  }
0x75: {  	[sflag:s21] =	ssyncadd.s32 $0xFFFFFFF0  }
0x76: {  	v8 =	vld.msk [tilespmem:s22+$0x0], $0xffff;
	[bflag:$0x0] =	sbarrier.arrive $0xFFFF  }
0x77: {  	[tilespmem:s7], [sflag:$0x1] =	stream.linear.gather [hbm4b:s10+s7], $0x80, $0x38;
	[tilespmem:$0x1F180] =	vst v63  }
0x78: {  	s19 =	smov.u32 s8;
	s17 =	smov.u32 s9;
	s11 =	rddreg [dreg:$0xa]  }
0x79: {  	[tilespmem:s20], [sflag:$0x3] =	stream.linear.gather [hbm4b:s11+s7], $0x4000, $0x38;
	[tilespmem:$0x1F180] =	vst v63  }
.LBB2_6:
0x7a: {  	_ =	swait.ge [sflag:s23], $0x80  }
0x7b: {  	[sflag:s23] =	ssyncset.done $0x0  }
0x7c: {  	[sflag:s23] =	ssyncadd.s32 $0xFFFFFF80  }
0x7d: {  	_ =	swait.ge [sflag:s24], $0x4000  }
0x7e: {  	[sflag:s24] =	ssyncset.done $0x0  }
0x7f: {  	[sflag:s24] =	ssyncadd.s32 $0xFFFFC000  }
0x80: {  	[spmem:s3] =	stream.indirect.scatter.add.f32 [tilespmem:s20], [sflag:$0x5], $0x80, s4, s25, $0xb8;
	[tilespmem:$0x1F180] =	vst v63  }
0x81: {  	v9 =	vld.idx.msk [tilespmem:v1+s4+$0x0], $0xffff  }
0x82: {  	v10 =	vld [tilespmem:$0x0];
	_ =	sdelay $0x3  }
0x83: {  	v8 =	vsel vm0, v8, v9  }
0x84: {  	vm1 =	vne.s32 v10, v8  }
0x85: {  	v9 =	vor.u32 s7, v2  }
0x86: {  	v9 =	vcvt.s32.f32 v9;
	_ =	sdelay $0x1  }
0x87: {  	v11 =	vsub.f32 $0.0e+00, v9;
	_ =	sdelay $0x1  }
0x88: {  	[tilespmem:v10+s26+$0x0] =	vst.idx.add.f32.msk vm1, v11  }
0x89: {  	[tilespmem:v8+s26+$0x0] =	vst.idx.add.f32.msk vm1, v9  }
0x8a: {  	v8 =	vld [tilespmem:$0x10]  }
0x8b: {  	v9 =	vld [tilespmem:$0xF];
	_ =	sdelay $0x4  }
0x8c: {  	s11 =	sadd.s32 $0x10, s7;
	vm1 =	vne.s32 v8, v9  }
0x8d: {  	v10 =	vor.u32 s11, v2  }
0x8e: {  	v10 =	vcvt.s32.f32 v10;
	_ =	sdelay $0x1  }
0x8f: {  	v11 =	vsub.f32 $0.0e+00, v10;
	_ =	sdelay $0x1  }
0x90: {  	[tilespmem:v8+s26+$0x0] =	vst.idx.add.f32.msk vm1, v11  }
0x91: {  	[tilespmem:v9+s26+$0x0] =	vst.idx.add.f32.msk vm1, v10  }
0x92: {  	v8 =	vld [tilespmem:$0x20]  }
0x93: {  	v9 =	vld [tilespmem:$0x1F];
	_ =	sdelay $0x4  }
0x94: {  	s11 =	sadd.s32 $0x20, s7;
	vm1 =	vne.s32 v8, v9  }
0x95: {  	v10 =	vor.u32 s11, v2  }
0x96: {  	v10 =	vcvt.s32.f32 v10;
	_ =	sdelay $0x1  }
0x97: {  	v11 =	vsub.f32 $0.0e+00, v10;
	_ =	sdelay $0x1  }
0x98: {  	[tilespmem:v8+s26+$0x0] =	vst.idx.add.f32.msk vm1, v11  }
0x99: {  	[tilespmem:v9+s26+$0x0] =	vst.idx.add.f32.msk vm1, v10  }
0x9a: {  	v8 =	vld [tilespmem:$0x30]  }
0x9b: {  	v9 =	vld [tilespmem:$0x2F];
	_ =	sdelay $0x4  }
0x9c: {  	s11 =	sadd.s32 $0x30, s7;
	vm1 =	vne.s32 v8, v9  }
0x9d: {  	v10 =	vor.u32 s11, v2  }
0x9e: {  	v10 =	vcvt.s32.f32 v10;
	_ =	sdelay $0x1  }
0x9f: {  	v11 =	vsub.f32 $0.0e+00, v10;
	_ =	sdelay $0x1  }
0xa0: {  	[tilespmem:v8+s26+$0x0] =	vst.idx.add.f32.msk vm1, v11  }
0xa1: {  	[tilespmem:v9+s26+$0x0] =	vst.idx.add.f32.msk vm1, v10  }
0xa2: {  	v8 =	vld [tilespmem:$0x40]  }
0xa3: {  	v9 =	vld [tilespmem:$0x3F];
	_ =	sdelay $0x4  }
0xa4: {  	s11 =	sadd.s32 $0x40, s7;
	vm1 =	vne.s32 v8, v9  }
0xa5: {  	v10 =	vor.u32 s11, v2  }
0xa6: {  	v10 =	vcvt.s32.f32 v10;
	_ =	sdelay $0x1  }
0xa7: {  	v11 =	vsub.f32 $0.0e+00, v10;
	_ =	sdelay $0x1  }
0xa8: {  	[tilespmem:v8+s26+$0x0] =	vst.idx.add.f32.msk vm1, v11  }
0xa9: {  	[tilespmem:v9+s26+$0x0] =	vst.idx.add.f32.msk vm1, v10  }
0xaa: {  	v8 =	vld [tilespmem:$0x50]  }
0xab: {  	v9 =	vld [tilespmem:$0x4F];
	_ =	sdelay $0x4  }
0xac: {  	s11 =	sadd.s32 $0x50, s7;
	vm1 =	vne.s32 v8, v9  }
0xad: {  	v10 =	vor.u32 s11, v2  }
0xae: {  	v10 =	vcvt.s32.f32 v10;
	_ =	sdelay $0x1  }
0xaf: {  	v11 =	vsub.f32 $0.0e+00, v10;
	_ =	sdelay $0x1  }
0xb0: {  	[tilespmem:v8+s26+$0x0] =	vst.idx.add.f32.msk vm1, v11  }
0xb1: {  	[tilespmem:v9+s26+$0x0] =	vst.idx.add.f32.msk vm1, v10  }
0xb2: {  	v8 =	vld [tilespmem:$0x60]  }
0xb3: {  	v9 =	vld [tilespmem:$0x5F];
	_ =	sdelay $0x4  }
0xb4: {  	s11 =	sadd.s32 $0x60, s7;
	vm1 =	vne.s32 v8, v9  }
0xb5: {  	v10 =	vor.u32 s11, v2  }
0xb6: {  	v10 =	vcvt.s32.f32 v10;
	_ =	sdelay $0x1  }
0xb7: {  	v11 =	vsub.f32 $0.0e+00, v10;
	_ =	sdelay $0x1  }
0xb8: {  	[tilespmem:v8+s26+$0x0] =	vst.idx.add.f32.msk vm1, v11  }
0xb9: {  	[tilespmem:v9+s26+$0x0] =	vst.idx.add.f32.msk vm1, v10  }
0xba: {  	v8 =	vld [tilespmem:$0x70]  }
0xbb: {  	v9 =	vld [tilespmem:$0x6F];
	_ =	sdelay $0x4  }
0xbc: {  	s11 =	sadd.s32 $0x70, s7;
	vm1 =	vne.s32 v8, v9  }
0xbd: {  	v10 =	vor.u32 s11, v2  }
0xbe: {  	v10 =	vcvt.s32.f32 v10;
	_ =	sdelay $0x1  }
0xbf: {  	v11 =	vsub.f32 $0.0e+00, v10;
	_ =	sdelay $0x1  }
0xc0: {  	p0 =	seq.s32 s7, $0x0;
	[tilespmem:v8+s26+$0x0] =	vst.idx.add.f32.msk vm1, v11  }
0xc1: {  	s11 =	simm.s32 @!p0 $0x6;
	[tilespmem:v9+s26+$0x0] =	vst.idx.add.f32.msk vm1, v10  }
0xc2: {  	v8 =	vld.idx.msk [tilespmem:v3+s4+$0x0], $0xffff;
	_ =	swait.ge @!p0 [sflag:s11], $0x4000  }
0xc3: {  	[sflag:s11] =	ssyncset.done @!p0 $0x0  }
0xc4: {  	[sflag:s11] =	ssyncadd.s32 @!p0 $0xFFFFC000  }
0xc5: {  	[tilespmem:s25], [sflag:$0x2] =	stream.linear.gather [hbm4b:s19+s4], $0x80, $0x38;
	[tilespmem:$0x1F180] =	vst v63  }
0xc6: {  	s11 =	sadd.s32 $0xFFFFF800, s17  }
0xc7: {  	[tilespmem:s28], [sflag:$0x4] =	stream.linear.gather [hbm4b:s11+s4], $0x4000, $0x38;
	[tilespmem:$0x1F180] =	vst v63  }
0xc8: {  	_ =	swait.ge [sflag:s29], $0x80  }
0xc9: {  	[sflag:s29] =	ssyncset.done $0x0  }
0xca: {  	[sflag:s29] =	ssyncadd.s32 $0xFFFFFF80  }
0xcb: {  	_ =	swait.ge [sflag:s30], $0x4000  }
0xcc: {  	[sflag:s30] =	ssyncset.done $0x0  }
0xcd: {  	[sflag:s30] =	ssyncadd.s32 $0xFFFFC000  }
0xce: {  	[spmem:s3] =	stream.indirect.scatter.add.f32 [tilespmem:s28], [sflag:$0x6], $0x80, s25, s25, $0xb8;
	[tilespmem:$0x1F180] =	vst v63  }
0xcf: {  	v9 =	vld.idx.msk [tilespmem:v1+s25+$0x0], $0xffff  }
0xd0: {  	v10 =	vld [tilespmem:$0x80];
	_ =	sdelay $0x3  }
0xd1: {  	v8 =	vsel vm0, v8, v9  }
0xd2: {  	s11 =	sadd.s32 $0x80, s7;
	vm1 =	vne.s32 v10, v8  }
0xd3: {  	v9 =	vor.u32 s11, v2  }
0xd4: {  	v9 =	vcvt.s32.f32 v9;
	_ =	sdelay $0x1  }
0xd5: {  	v11 =	vsub.f32 $0.0e+00, v9;
	_ =	sdelay $0x1  }
0xd6: {  	[tilespmem:v10+s26+$0x0] =	vst.idx.add.f32.msk vm1, v11  }
0xd7: {  	[tilespmem:v8+s26+$0x0] =	vst.idx.add.f32.msk vm1, v9  }
0xd8: {  	v8 =	vld [tilespmem:$0x90]  }
0xd9: {  	v9 =	vld [tilespmem:$0x8F];
	_ =	sdelay $0x4  }
0xda: {  	s11 =	sadd.s32 $0x90, s7;
	vm1 =	vne.s32 v8, v9  }
0xdb: {  	v10 =	vor.u32 s11, v2  }
0xdc: {  	v10 =	vcvt.s32.f32 v10;
	_ =	sdelay $0x1  }
0xdd: {  	v11 =	vsub.f32 $0.0e+00, v10;
	_ =	sdelay $0x1  }
0xde: {  	[tilespmem:v8+s26+$0x0] =	vst.idx.add.f32.msk vm1, v11  }
0xdf: {  	[tilespmem:v9+s26+$0x0] =	vst.idx.add.f32.msk vm1, v10  }
0xe0: {  	v8 =	vld [tilespmem:$0xA0]  }
0xe1: {  	v9 =	vld [tilespmem:$0x9F];
	_ =	sdelay $0x4  }
0xe2: {  	s11 =	sadd.s32 $0xA0, s7;
	vm1 =	vne.s32 v8, v9  }
0xe3: {  	v10 =	vor.u32 s11, v2  }
0xe4: {  	v10 =	vcvt.s32.f32 v10;
	_ =	sdelay $0x1  }
0xe5: {  	v11 =	vsub.f32 $0.0e+00, v10;
	_ =	sdelay $0x1  }
0xe6: {  	[tilespmem:v8+s26+$0x0] =	vst.idx.add.f32.msk vm1, v11  }
0xe7: {  	[tilespmem:v9+s26+$0x0] =	vst.idx.add.f32.msk vm1, v10  }
0xe8: {  	v8 =	vld [tilespmem:$0xB0]  }
0xe9: {  	v9 =	vld [tilespmem:$0xAF];
	_ =	sdelay $0x4  }
0xea: {  	s11 =	sadd.s32 $0xB0, s7;
	vm1 =	vne.s32 v8, v9  }
0xeb: {  	v10 =	vor.u32 s11, v2  }
0xec: {  	v10 =	vcvt.s32.f32 v10;
	_ =	sdelay $0x1  }
0xed: {  	v11 =	vsub.f32 $0.0e+00, v10;
	_ =	sdelay $0x1  }
0xee: {  	[tilespmem:v8+s26+$0x0] =	vst.idx.add.f32.msk vm1, v11  }
0xef: {  	[tilespmem:v9+s26+$0x0] =	vst.idx.add.f32.msk vm1, v10  }
0xf0: {  	v8 =	vld [tilespmem:$0xC0]  }
0xf1: {  	v9 =	vld [tilespmem:$0xBF];
	_ =	sdelay $0x4  }
0xf2: {  	s11 =	sadd.s32 $0xC0, s7;
	vm1 =	vne.s32 v8, v9  }
0xf3: {  	v10 =	vor.u32 s11, v2  }
0xf4: {  	v10 =	vcvt.s32.f32 v10;
	_ =	sdelay $0x1  }
0xf5: {  	v11 =	vsub.f32 $0.0e+00, v10;
	_ =	sdelay $0x1  }
0xf6: {  	[tilespmem:v8+s26+$0x0] =	vst.idx.add.f32.msk vm1, v11  }
0xf7: {  	[tilespmem:v9+s26+$0x0] =	vst.idx.add.f32.msk vm1, v10  }
0xf8: {  	v8 =	vld [tilespmem:$0xD0]  }
0xf9: {  	v9 =	vld [tilespmem:$0xCF];
	_ =	sdelay $0x4  }
0xfa: {  	s11 =	sadd.s32 $0xD0, s7;
	vm1 =	vne.s32 v8, v9  }
0xfb: {  	v10 =	vor.u32 s11, v2  }
0xfc: {  	v10 =	vcvt.s32.f32 v10;
	_ =	sdelay $0x1  }
0xfd: {  	v11 =	vsub.f32 $0.0e+00, v10;
	_ =	sdelay $0x1  }
0xfe: {  	[tilespmem:v8+s26+$0x0] =	vst.idx.add.f32.msk vm1, v11  }
0xff: {  	[tilespmem:v9+s26+$0x0] =	vst.idx.add.f32.msk vm1, v10  }
0x100: {  	v8 =	vld [tilespmem:$0xE0]  }
0x101: {  	v9 =	vld [tilespmem:$0xDF];
	_ =	sdelay $0x4  }
0x102: {  	s11 =	sadd.s32 $0xE0, s7;
	vm1 =	vne.s32 v8, v9  }
0x103: {  	v10 =	vor.u32 s11, v2  }
0x104: {  	v10 =	vcvt.s32.f32 v10;
	_ =	sdelay $0x1  }
0x105: {  	v11 =	vsub.f32 $0.0e+00, v10;
	_ =	sdelay $0x1  }
0x106: {  	[tilespmem:v8+s26+$0x0] =	vst.idx.add.f32.msk vm1, v11  }
0x107: {  	[tilespmem:v9+s26+$0x0] =	vst.idx.add.f32.msk vm1, v10  }
0x108: {  	v8 =	vld [tilespmem:$0xF0]  }
0x109: {  	v9 =	vld [tilespmem:$0xEF];
	_ =	sdelay $0x4  }
0x10a: {  	s11 =	sadd.s32 $0xF0, s7;
	vm1 =	vne.s32 v8, v9  }
0x10b: {  	v10 =	vor.u32 s11, v2  }
0x10c: {  	v10 =	vcvt.s32.f32 v10;
	_ =	sdelay $0x1  }
0x10d: {  	v11 =	vsub.f32 $0.0e+00, v10  }
0x10e: {  	p0 =	seq.s32 s7, $0x2600  }
.Ltmp4:
0x10f: {  	[tilespmem:v8+s26+$0x0] =	vst.idx.add.f32.msk vm1, v11;
	(pc) =	sbr.rel @p0 .LBB2_8-.Ltmp4, $4  }
0x110: {  	[tilespmem:v9+s26+$0x0] =	vst.idx.add.f32.msk vm1, v10  }
0x111: {  	v8 =	vld.idx.msk [tilespmem:v3+s25+$0x0], $0xffff;
	_ =	swait.ge [sflag:s31], $0x4000  }
0x112: {  	[sflag:s31] =	ssyncset.done $0x0  }
0x113: {  	[sflag:s31] =	ssyncadd.s32 $0xFFFFC000  }
0x114: {  	s11 =	sadd.s32 s7, s18  }
0x115: {  	s11 =	sshrl.u32 s11, $0x3  }
.Ltmp5:
0x116: {  	s11 =	sadd.s32 s0, s11;
	(pc) =	sbr.rel .LBB2_6-.Ltmp5, $4  }
0x117: {  	[tilespmem:s4], [sflag:$0x1] =	stream.linear.gather [hbm4b:s11+s4], $0x80, $0x38;
	[tilespmem:$0x1F180] =	vst v63  }
0x118: {  	_ = 	snop  }
0x119: {  	[tilespmem:s20], [sflag:$0x3] =	stream.linear.gather [hbm4b:s17+s4], $0x4000, $0x38;
	[tilespmem:$0x1F180] =	vst v63  }
0x11a: {  	s7 =	sadd.s32 $0x100, s7;
	s19 =	sadd.s32 $0x20, s19;
	s17 =	sadd.s32 $0x1000, s17  }
.LBB2_9:
0x11b: {  	_ =	sfence.sel $0x180000  }
0x11c: {  	[bflag:$0x0] =	sbarrier.arrive $0xFFFF  }
0x11d: {  	_ =	strace $0x90000047  }
0x11e: {  	s0 =	stileid.u32;
	[bflag:$0x2] =	sbarrier.arrive $0xFFFF  }
0x11f: {  	p0 =	sne.s32 s0, $0x0;
	s0 =	rddreg [dreg:$0x5]  }
0x120: {  	s0 =	sadd.s32 @!p0 $0x100000, s0  }
0x121: {  	[sflag:s0] =	ssyncadd.tile.s32 @!p0 $0x1;
	_ =	shalt  }
.Lfunc_end2:
_tile_overlayer_lowered:
.L_overlay_start_2:
0x122: {  	(tag) =	ssettag $0x2  }
0x123: {  	s0 =	rddreg [dreg:$0x0];
	s2 =	stileid.u32  }
0x124: {  	s1 =	rddreg [dreg:$0x1];
	p0 =	sne.s32 s2, $0x0  }
0x125: {  	s3 =	rddreg [dreg:$0x2];
	[bflag:$0x3] =	sbarrier.arrive $0xFFFF;
	s2 =	simm.s32 @!p0 $0x1C07  }
0x126: {  	[timem:s3], [sflag:s2] =	dma.local @!p0 [hbm:s0], s1  }
0x127: {  	s0 =	simm.s32 @!p0 $0x7  }
0x128: {  	_ =	swait.ge @!p0 [sflag:s0], s1  }
0x129: {  	s1 =	ssub.s32 @!p0 $0x0, s1;
	[sflag:s0] =	ssyncset.done @!p0 $0x0  }
0x12a: {  	[sflag:s0] =	ssyncadd.s32 @!p0 s1  }
0x12b: {  	[bflag:$0x3] =	sbarrier.arrive $0xFFFF  }
0x12c: {  	_ =	shalt  }

</sc_bundles>
